<compile_context>
chip_gen: v7x
topology: tpu7x:2x2x1
jax: 0.10.2.dev20260603
libtpu: 0.0.44.dev20260713+nightly
codegen_flags: <defaults>
</compile_context>

<pallas_src>
import functools

import jax
import jax.numpy as jnp
from jax import lax
from jax.experimental import pallas as pl
from jax.experimental.pallas import tpu as pltpu
from jax.experimental.pallas import tpu_sc as plsc

NC = 2
NS = 16
NW = NC * NS

B = 4096
S = 200
D = 64
CHUNK_OFF = (0, 128)
CHUNK_LEN = (128, 72)
ROWS_PER_W = B // NW
RING = 8
NITER = ROWS_PER_W // RING


def _make_kernel():
  mesh = plsc.VectorSubcoreMesh(core_axis_name="c", subcore_axis_name="s")

  @functools.partial(
      pl.kernel,
      out_type=jax.ShapeDtypeStruct((B, S, 2 * D), jnp.float32),
      mesh=mesh,
      compiler_params=pltpu.CompilerParams(use_tc_tiling_on_sc=False),
      scratch_types=[
          pltpu.VMEM((ROWS_PER_W, S), jnp.int32),
          [pltpu.VMEM((S, D), jnp.float32)] * RING,
          [pltpu.SemaphoreType.DMA] * RING,
          [pltpu.SemaphoreType.DMA] * RING,
      ],
  )
  def k(idx_hbm, table_hbm, out_hbm, idx_v, bufs, gsems, wsems):
    wid = lax.axis_index("s") * NC + lax.axis_index("c")
    rbase = wid * ROWS_PER_W
    pltpu.sync_copy(idx_hbm.at[pl.ds(rbase, ROWS_PER_W)], idx_v)

    def step(i, _):
      for b in range(RING):
        r = RING * i + b
        @pl.when(i > 0)
        def _():
          pltpu.make_async_copy(
              bufs[b],
              out_hbm.at[rbase, pl.ds(0, S), pl.ds(0, D)], wsems[b]).wait()
        for c in range(2):
          pltpu.async_copy(
              table_hbm.at[idx_v.at[r, pl.ds(CHUNK_OFF[c], CHUNK_LEN[c])]],
              bufs[b].at[pl.ds(CHUNK_OFF[c], CHUNK_LEN[c])], gsems[b])
      for b in range(RING):
        r = RING * i + b
        for c in range(2):
          pltpu.make_async_copy(
              table_hbm.at[idx_v.at[r, pl.ds(CHUNK_OFF[c], CHUNK_LEN[c])]],
              bufs[b].at[pl.ds(CHUNK_OFF[c], CHUNK_LEN[c])], gsems[b]).wait()
        pltpu.async_copy(
            bufs[b],
            out_hbm.at[rbase + r, pl.ds(0, S), pl.ds(0, D)], wsems[b])
      return 0

    lax.fori_loop(0, NITER, step, 0)

    for b in range(RING):
      pltpu.make_async_copy(
          bufs[b],
          out_hbm.at[rbase, pl.ds(0, S), pl.ds(0, D)], wsems[b]).wait()

  return k


_gather_kernel = _make_kernel()


@jax.jit
def kernel(x, embedding):
  out = _gather_kernel(x.astype(jnp.int32), embedding)
  return out[:, :, :D]

# --- scband reference (transcript-rebuilt; emitter-appended) ---
"""Pipeline reference for scband-node-embedding-2327872274773 (READ-ONLY COPY).

The authoritative reference and input builder live on the scoring server;
editing this copy changes nothing except your own understanding.
"""

import jax, jax.numpy as jnp
import numpy as np

VOCAB = 1000000
EMBED_DIM = 64

def setup_inputs(seed: int = 0) -> dict:
    key = jax.random.key(seed)
    k_idx, k_tab = jax.random.split(key)
    x = jax.random.randint(k_idx, (4096, 200), 0, VOCAB, dtype=jnp.int64)
    embedding = jax.random.normal(k_tab, (VOCAB, EMBED_DIM), dtype=jnp.float32)
    return {"x": x, "embedding": embedding}

def reference(x, embedding):
    # Faithful translation of F.embedding(x, self.embedding)
    return jnp.take(embedding, x, axis=0)

if __name__ == "__main__":
    import jax
    _d = setup_inputs()
    print(jax.jit(kernel)(*tuple(_d.values())))

</pallas_src>

<mosaic_0001>
#map = affine_map<(d0, d1) -> (0, 0)>
#map1 = affine_map<(d0, d1) -> (0, 0, 0)>
module attributes {stable_mosaic.version = 14 : i64} {
  func.func @k(%arg0: i32, %arg1: i32, %arg2: memref<4096x200xi32, #tpu.memory_space<hbm>>, %arg3: memref<1000000x64xf32, #tpu.memory_space<hbm>>, %arg4: memref<4096x200x128xf32, #tpu.memory_space<hbm>>, %arg5: memref<128x200xi32, #tpu.memory_space<vmem>>, %arg6: memref<200x64xf32, #tpu.memory_space<vmem>>, %arg7: memref<200x64xf32, #tpu.memory_space<vmem>>, %arg8: memref<200x64xf32, #tpu.memory_space<vmem>>, %arg9: memref<200x64xf32, #tpu.memory_space<vmem>>, %arg10: memref<200x64xf32, #tpu.memory_space<vmem>>, %arg11: memref<200x64xf32, #tpu.memory_space<vmem>>, %arg12: memref<200x64xf32, #tpu.memory_space<vmem>>, %arg13: memref<200x64xf32, #tpu.memory_space<vmem>>, %arg14: memref<!tpu.dma_semaphore, #tpu.memory_space<semaphore_mem>>, %arg15: memref<!tpu.dma_semaphore, #tpu.memory_space<semaphore_mem>>, %arg16: memref<!tpu.dma_semaphore, #tpu.memory_space<semaphore_mem>>, %arg17: memref<!tpu.dma_semaphore, #tpu.memory_space<semaphore_mem>>, %arg18: memref<!tpu.dma_semaphore, #tpu.memory_space<semaphore_mem>>, %arg19: memref<!tpu.dma_semaphore, #tpu.memory_space<semaphore_mem>>, %arg20: memref<!tpu.dma_semaphore, #tpu.memory_space<semaphore_mem>>, %arg21: memref<!tpu.dma_semaphore, #tpu.memory_space<semaphore_mem>>, %arg22: memref<!tpu.dma_semaphore, #tpu.memory_space<semaphore_mem>>, %arg23: memref<!tpu.dma_semaphore, #tpu.memory_space<semaphore_mem>>, %arg24: memref<!tpu.dma_semaphore, #tpu.memory_space<semaphore_mem>>, %arg25: memref<!tpu.dma_semaphore, #tpu.memory_space<semaphore_mem>>, %arg26: memref<!tpu.dma_semaphore, #tpu.memory_space<semaphore_mem>>, %arg27: memref<!tpu.dma_semaphore, #tpu.memory_space<semaphore_mem>>, %arg28: memref<!tpu.dma_semaphore, #tpu.memory_space<semaphore_mem>>, %arg29: memref<!tpu.dma_semaphore, #tpu.memory_space<semaphore_mem>>) attributes {dimension_semantics = [#tpu.dimension_semantics<core_parallel>, #tpu.dimension_semantics<subcore_parallel>], iteration_bounds = array<i64: 2, 16>, scalar_prefetch = 0 : i64, scratch_operands = 25 : i64, tpu.core_type = #tpu.core_type<sc_vector_subcore>, window_params = [{transform_indices = #map}, {transform_indices = #map}, {transform_indices = #map1}]} {
    %mul3A = arith.constant 2 : i32
    %mul3A_0 = arith.muli %arg1, %mul3A : i32
    %add3A = arith.addi %mul3A_0, %arg0 : i32
    %mul3A_1 = arith.constant 128 : i32
    %mul3A_2 = arith.muli %add3A, %mul3A_1 : i32
    "tpu.region"() ({
      %run_scoped3A = tpu.sem_alloc : memref<!tpu.dma_semaphore, #tpu.memory_space<semaphore_mem>>
      %dma_start3A = arith.constant 0 : i32
      %dma_start3A_72 = tpu.memref_slice %arg2[%mul3A_2, %dma_start3A] : memref<4096x200xi32, #tpu.memory_space<hbm>> -> memref<128x200xi32, #tpu.memory_space<hbm>>
      %dma_start3A_73 = arith.constant 0 : i32
      %dma_start3A_74 = tpu.memref_slice %arg2[%mul3A_2, %dma_start3A_73] : memref<4096x200xi32, #tpu.memory_space<hbm>> -> memref<128x200xi32, #tpu.memory_space<hbm>>
      tpu.enqueue_dma source(%dma_start3A_74 : memref<128x200xi32, #tpu.memory_space<hbm>>) target(%arg5 : memref<128x200xi32, #tpu.memory_space<vmem>>) target_semaphore(%run_scoped3A : memref<!tpu.dma_semaphore, #tpu.memory_space<semaphore_mem>>)
      %dma_wait3A_75 = arith.constant 0 : i32
      %dma_wait3A_76 = tpu.memref_slice %arg2[%mul3A_2, %dma_wait3A_75] : memref<4096x200xi32, #tpu.memory_space<hbm>> -> memref<128x200xi32, #tpu.memory_space<hbm>>
      %dma_wait3A_77 = arith.constant 0 : i32
      %dma_wait3A_78 = tpu.memref_slice %arg2[%mul3A_2, %dma_wait3A_77] : memref<4096x200xi32, #tpu.memory_space<hbm>> -> memref<128x200xi32, #tpu.memory_space<hbm>>
      tpu.wait_dma2 semaphore(%run_scoped3A : memref<!tpu.dma_semaphore, #tpu.memory_space<semaphore_mem>>) src(%dma_wait3A_78 : memref<128x200xi32, #tpu.memory_space<hbm>>) dst(%arg5 : memref<128x200xi32, #tpu.memory_space<vmem>>)
      tpu.yield
    }) : () -> ()
    %scan3A = arith.constant 0 : i32
    %scan3A_3 = arith.constant 0 : i32
    %scan3A_4 = arith.constant 16 : i32
    %scan3A_5 = arith.addi %scan3A_3, %scan3A_4 : i32
    %scan3A_6 = arith.constant 1 : i32
    %scan3A_7 = scf.for %scan3A_72 = %scan3A_3 to %scan3A_5 step %scan3A_6 iter_args(%scan3A_73 = %scan3A) -> (i32)  : i32 {
      %mul3A_74 = arith.constant 8 : i32
      %mul3A_75 = arith.muli %mul3A_74, %scan3A_72 : i32
      %add3A_76 = arith.constant 0 : i32
      %add3A_77 = arith.addi %mul3A_75, %add3A_76 : i32
      %gt3A = arith.constant 0 : i32
      %gt3A_78 = arith.cmpi sgt, %scan3A_72, %gt3A : i32
      %convert_element_type3A = arith.extui %gt3A_78 : i1 to i32
      %cond3A = arith.constant 0 : i32
      %cond3A_79 = arith.cmpi ne, %convert_element_type3A, %cond3A : i32
      scf.if %cond3A_79 {
        %dma_wait3A_535 = arith.constant 0 : i32
        %dma_wait3A_536 = arith.constant 0 : i32
        %dma_wait3A_537 = tpu.memref_slice %arg4[%mul3A_2, %dma_wait3A_535, %dma_wait3A_536] : memref<4096x200x128xf32, #tpu.memory_space<hbm>> -> memref<1x200x64xf32, #tpu.memory_space<hbm>>
        %dma_wait3A_538 = tpu.memref_squeeze %dma_wait3A_537 : memref<1x200x64xf32, #tpu.memory_space<hbm>> -> memref<200x64xf32, #tpu.memory_space<hbm>>
        %dma_wait3A_539 = arith.constant 0 : i32
        %dma_wait3A_540 = arith.constant 0 : i32
        %dma_wait3A_541 = tpu.memref_slice %arg4[%mul3A_2, %dma_wait3A_539, %dma_wait3A_540] : memref<4096x200x128xf32, #tpu.memory_space<hbm>> -> memref<1x200x64xf32, #tpu.memory_space<hbm>>
        %dma_wait3A_542 = tpu.memref_squeeze %dma_wait3A_541 : memref<1x200x64xf32, #tpu.memory_space<hbm>> -> memref<200x64xf32, #tpu.memory_space<hbm>>
        tpu.wait_dma2 semaphore(%arg22 : memref<!tpu.dma_semaphore, #tpu.memory_space<semaphore_mem>>) src(%arg6 : memref<200x64xf32, #tpu.memory_space<vmem>>) dst(%dma_wait3A_542 : memref<200x64xf32, #tpu.memory_space<hbm>>)
      } else {
      }
      %dma_start3A = arith.constant 0 : i32
      %dma_start3A_80 = arith.constant 0 : i32
      %dma_start3A_81 = tpu.memref_slice %arg6[%dma_start3A, %dma_start3A_80] : memref<200x64xf32, #tpu.memory_space<vmem>> -> memref<128x64xf32, #tpu.memory_space<vmem>>
      %dma_start3A_82 = arith.constant 0 : i32
      %dma_start3A_83 = tpu.memref_slice %arg5[%add3A_77, %dma_start3A_82] : memref<128x200xi32, #tpu.memory_space<vmem>> -> memref<1x128xi32, #tpu.memory_space<vmem>>
      %dma_start3A_84 = tpu.memref_squeeze %dma_start3A_83 : memref<1x128xi32, #tpu.memory_space<vmem>> -> memref<128xi32, #tpu.memory_space<vmem>>
      %dma_start3A_85 = arith.constant 0 : i32
      %dma_start3A_86 = arith.constant 0 : i32
      %dma_start3A_87 = tpu.memref_slice %arg3[%dma_start3A_85, %dma_start3A_86] : memref<1000000x64xf32, #tpu.memory_space<hbm>> -> memref<1000000x64xf32, #tpu.memory_space<hbm>>
      tpu.enqueue_indirect_dma source(%dma_start3A_87 : memref<1000000x64xf32, #tpu.memory_space<hbm>>) target(%dma_start3A_81 : memref<128x64xf32, #tpu.memory_space<vmem>>) offsets(%dma_start3A_84 : memref<128xi32, #tpu.memory_space<vmem>>) semaphore(%arg14 : memref<!tpu.dma_semaphore, #tpu.memory_space<semaphore_mem>>)
      %dma_start3A_88 = arith.constant 128 : i32
      %dma_start3A_89 = arith.constant 0 : i32
      %dma_start3A_90 = tpu.memref_slice %arg6[%dma_start3A_88, %dma_start3A_89] : memref<200x64xf32, #tpu.memory_space<vmem>> -> memref<72x64xf32, #tpu.memory_space<vmem>>
      %dma_start3A_91 = arith.constant 128 : i32
      %dma_start3A_92 = tpu.memref_slice %arg5[%add3A_77, %dma_start3A_91] : memref<128x200xi32, #tpu.memory_space<vmem>> -> memref<1x72xi32, #tpu.memory_space<vmem>>
      %dma_start3A_93 = tpu.memref_squeeze %dma_start3A_92 : memref<1x72xi32, #tpu.memory_space<vmem>> -> memref<72xi32, #tpu.memory_space<vmem>>
      %dma_start3A_94 = arith.constant 0 : i32
      %dma_start3A_95 = arith.constant 0 : i32
      %dma_start3A_96 = tpu.memref_slice %arg3[%dma_start3A_94, %dma_start3A_95] : memref<1000000x64xf32, #tpu.memory_space<hbm>> -> memref<1000000x64xf32, #tpu.memory_space<hbm>>
      tpu.enqueue_indirect_dma source(%dma_start3A_96 : memref<1000000x64xf32, #tpu.memory_space<hbm>>) target(%dma_start3A_90 : memref<72x64xf32, #tpu.memory_space<vmem>>) offsets(%dma_start3A_93 : memref<72xi32, #tpu.memory_space<vmem>>) semaphore(%arg14 : memref<!tpu.dma_semaphore, #tpu.memory_space<semaphore_mem>>)
      %mul3A_97 = arith.constant 8 : i32
      %mul3A_98 = arith.muli %mul3A_97, %scan3A_72 : i32
      %add3A_99 = arith.constant 1 : i32
      %add3A_100 = arith.addi %mul3A_98, %add3A_99 : i32
      %gt3A_101 = arith.constant 0 : i32
      %gt3A_102 = arith.cmpi sgt, %scan3A_72, %gt3A_101 : i32
      %convert_element_type3A_103 = arith.extui %gt3A_102 : i1 to i32
      %cond3A_104 = arith.constant 0 : i32
      %cond3A_105 = arith.cmpi ne, %convert_element_type3A_103, %cond3A_104 : i32
      scf.if %cond3A_105 {
        %dma_wait3A_535 = arith.constant 0 : i32
        %dma_wait3A_536 = arith.constant 0 : i32
        %dma_wait3A_537 = tpu.memref_slice %arg4[%mul3A_2, %dma_wait3A_535, %dma_wait3A_536] : memref<4096x200x128xf32, #tpu.memory_space<hbm>> -> memref<1x200x64xf32, #tpu.memory_space<hbm>>
        %dma_wait3A_538 = tpu.memref_squeeze %dma_wait3A_537 : memref<1x200x64xf32, #tpu.memory_space<hbm>> -> memref<200x64xf32, #tpu.memory_space<hbm>>
        %dma_wait3A_539 = arith.constant 0 : i32
        %dma_wait3A_540 = arith.constant 0 : i32
        %dma_wait3A_541 = tpu.memref_slice %arg4[%mul3A_2, %dma_wait3A_539, %dma_wait3A_540] : memref<4096x200x128xf32, #tpu.memory_space<hbm>> -> memref<1x200x64xf32, #tpu.memory_space<hbm>>
        %dma_wait3A_542 = tpu.memref_squeeze %dma_wait3A_541 : memref<1x200x64xf32, #tpu.memory_space<hbm>> -> memref<200x64xf32, #tpu.memory_space<hbm>>
        tpu.wait_dma2 semaphore(%arg23 : memref<!tpu.dma_semaphore, #tpu.memory_space<semaphore_mem>>) src(%arg7 : memref<200x64xf32, #tpu.memory_space<vmem>>) dst(%dma_wait3A_542 : memref<200x64xf32, #tpu.memory_space<hbm>>)
      } else {
      }
      %dma_start3A_106 = arith.constant 0 : i32
      %dma_start3A_107 = arith.constant 0 : i32
      %dma_start3A_108 = tpu.memref_slice %arg7[%dma_start3A_106, %dma_start3A_107] : memref<200x64xf32, #tpu.memory_space<vmem>> -> memref<128x64xf32, #tpu.memory_space<vmem>>
      %dma_start3A_109 = arith.constant 0 : i32
      %dma_start3A_110 = tpu.memref_slice %arg5[%add3A_100, %dma_start3A_109] : memref<128x200xi32, #tpu.memory_space<vmem>> -> memref<1x128xi32, #tpu.memory_space<vmem>>
      %dma_start3A_111 = tpu.memref_squeeze %dma_start3A_110 : memref<1x128xi32, #tpu.memory_space<vmem>> -> memref<128xi32, #tpu.memory_space<vmem>>
      %dma_start3A_112 = arith.constant 0 : i32
      %dma_start3A_113 = arith.constant 0 : i32
      %dma_start3A_114 = tpu.memref_slice %arg3[%dma_start3A_112, %dma_start3A_113] : memref<1000000x64xf32, #tpu.memory_space<hbm>> -> memref<1000000x64xf32, #tpu.memory_space<hbm>>
      tpu.enqueue_indirect_dma source(%dma_start3A_114 : memref<1000000x64xf32, #tpu.memory_space<hbm>>) target(%dma_start3A_108 : memref<128x64xf32, #tpu.memory_space<vmem>>) offsets(%dma_start3A_111 : memref<128xi32, #tpu.memory_space<vmem>>) semaphore(%arg15 : memref<!tpu.dma_semaphore, #tpu.memory_space<semaphore_mem>>)
      %dma_start3A_115 = arith.constant 128 : i32
      %dma_start3A_116 = arith.constant 0 : i32
      %dma_start3A_117 = tpu.memref_slice %arg7[%dma_start3A_115, %dma_start3A_116] : memref<200x64xf32, #tpu.memory_space<vmem>> -> memref<72x64xf32, #tpu.memory_space<vmem>>
      %dma_start3A_118 = arith.constant 128 : i32
      %dma_start3A_119 = tpu.memref_slice %arg5[%add3A_100, %dma_start3A_118] : memref<128x200xi32, #tpu.memory_space<vmem>> -> memref<1x72xi32, #tpu.memory_space<vmem>>
      %dma_start3A_120 = tpu.memref_squeeze %dma_start3A_119 : memref<1x72xi32, #tpu.memory_space<vmem>> -> memref<72xi32, #tpu.memory_space<vmem>>
      %dma_start3A_121 = arith.constant 0 : i32
      %dma_start3A_122 = arith.constant 0 : i32
      %dma_start3A_123 = tpu.memref_slice %arg3[%dma_start3A_121, %dma_start3A_122] : memref<1000000x64xf32, #tpu.memory_space<hbm>> -> memref<1000000x64xf32, #tpu.memory_space<hbm>>
      tpu.enqueue_indirect_dma source(%dma_start3A_123 : memref<1000000x64xf32, #tpu.memory_space<hbm>>) target(%dma_start3A_117 : memref<72x64xf32, #tpu.memory_space<vmem>>) offsets(%dma_start3A_120 : memref<72xi32, #tpu.memory_space<vmem>>) semaphore(%arg15 : memref<!tpu.dma_semaphore, #tpu.memory_space<semaphore_mem>>)
      %mul3A_124 = arith.constant 8 : i32
      %mul3A_125 = arith.muli %mul3A_124, %scan3A_72 : i32
      %add3A_126 = arith.constant 2 : i32
      %add3A_127 = arith.addi %mul3A_125, %add3A_126 : i32
      %gt3A_128 = arith.constant 0 : i32
      %gt3A_129 = arith.cmpi sgt, %scan3A_72, %gt3A_128 : i32
      %convert_element_type3A_130 = arith.extui %gt3A_129 : i1 to i32
      %cond3A_131 = arith.constant 0 : i32
      %cond3A_132 = arith.cmpi ne, %convert_element_type3A_130, %cond3A_131 : i32
      scf.if %cond3A_132 {
        %dma_wait3A_535 = arith.constant 0 : i32
        %dma_wait3A_536 = arith.constant 0 : i32
        %dma_wait3A_537 = tpu.memref_slice %arg4[%mul3A_2, %dma_wait3A_535, %dma_wait3A_536] : memref<4096x200x128xf32, #tpu.memory_space<hbm>> -> memref<1x200x64xf32, #tpu.memory_space<hbm>>
        %dma_wait3A_538 = tpu.memref_squeeze %dma_wait3A_537 : memref<1x200x64xf32, #tpu.memory_space<hbm>> -> memref<200x64xf32, #tpu.memory_space<hbm>>
        %dma_wait3A_539 = arith.constant 0 : i32
        %dma_wait3A_540 = arith.constant 0 : i32
        %dma_wait3A_541 = tpu.memref_slice %arg4[%mul3A_2, %dma_wait3A_539, %dma_wait3A_540] : memref<4096x200x128xf32, #tpu.memory_space<hbm>> -> memref<1x200x64xf32, #tpu.memory_space<hbm>>
        %dma_wait3A_542 = tpu.memref_squeeze %dma_wait3A_541 : memref<1x200x64xf32, #tpu.memory_space<hbm>> -> memref<200x64xf32, #tpu.memory_space<hbm>>
        tpu.wait_dma2 semaphore(%arg24 : memref<!tpu.dma_semaphore, #tpu.memory_space<semaphore_mem>>) src(%arg8 : memref<200x64xf32, #tpu.memory_space<vmem>>) dst(%dma_wait3A_542 : memref<200x64xf32, #tpu.memory_space<hbm>>)
      } else {
      }
      %dma_start3A_133 = arith.constant 0 : i32
      %dma_start3A_134 = arith.constant 0 : i32
      %dma_start3A_135 = tpu.memref_slice %arg8[%dma_start3A_133, %dma_start3A_134] : memref<200x64xf32, #tpu.memory_space<vmem>> -> memref<128x64xf32, #tpu.memory_space<vmem>>
      %dma_start3A_136 = arith.constant 0 : i32
      %dma_start3A_137 = tpu.memref_slice %arg5[%add3A_127, %dma_start3A_136] : memref<128x200xi32, #tpu.memory_space<vmem>> -> memref<1x128xi32, #tpu.memory_space<vmem>>
      %dma_start3A_138 = tpu.memref_squeeze %dma_start3A_137 : memref<1x128xi32, #tpu.memory_space<vmem>> -> memref<128xi32, #tpu.memory_space<vmem>>
      %dma_start3A_139 = arith.constant 0 : i32
      %dma_start3A_140 = arith.constant 0 : i32
      %dma_start3A_141 = tpu.memref_slice %arg3[%dma_start3A_139, %dma_start3A_140] : memref<1000000x64xf32, #tpu.memory_space<hbm>> -> memref<1000000x64xf32, #tpu.memory_space<hbm>>
      tpu.enqueue_indirect_dma source(%dma_start3A_141 : memref<1000000x64xf32, #tpu.memory_space<hbm>>) target(%dma_start3A_135 : memref<128x64xf32, #tpu.memory_space<vmem>>) offsets(%dma_start3A_138 : memref<128xi32, #tpu.memory_space<vmem>>) semaphore(%arg16 : memref<!tpu.dma_semaphore, #tpu.memory_space<semaphore_mem>>)
      %dma_start3A_142 = arith.constant 128 : i32
      %dma_start3A_143 = arith.constant 0 : i32
      %dma_start3A_144 = tpu.memref_slice %arg8[%dma_start3A_142, %dma_start3A_143] : memref<200x64xf32, #tpu.memory_space<vmem>> -> memref<72x64xf32, #tpu.memory_space<vmem>>
      %dma_start3A_145 = arith.constant 128 : i32
      %dma_start3A_146 = tpu.memref_slice %arg5[%add3A_127, %dma_start3A_145] : memref<128x200xi32, #tpu.memory_space<vmem>> -> memref<1x72xi32, #tpu.memory_space<vmem>>
      %dma_start3A_147 = tpu.memref_squeeze %dma_start3A_146 : memref<1x72xi32, #tpu.memory_space<vmem>> -> memref<72xi32, #tpu.memory_space<vmem>>
      %dma_start3A_148 = arith.constant 0 : i32
      %dma_start3A_149 = arith.constant 0 : i32
      %dma_start3A_150 = tpu.memref_slice %arg3[%dma_start3A_148, %dma_start3A_149] : memref<1000000x64xf32, #tpu.memory_space<hbm>> -> memref<1000000x64xf32, #tpu.memory_space<hbm>>
      tpu.enqueue_indirect_dma source(%dma_start3A_150 : memref<1000000x64xf32, #tpu.memory_space<hbm>>) target(%dma_start3A_144 : memref<72x64xf32, #tpu.memory_space<vmem>>) offsets(%dma_start3A_147 : memref<72xi32, #tpu.memory_space<vmem>>) semaphore(%arg16 : memref<!tpu.dma_semaphore, #tpu.memory_space<semaphore_mem>>)
      %mul3A_151 = arith.constant 8 : i32
      %mul3A_152 = arith.muli %mul3A_151, %scan3A_72 : i32
      %add3A_153 = arith.constant 3 : i32
      %add3A_154 = arith.addi %mul3A_152, %add3A_153 : i32
      %gt3A_155 = arith.constant 0 : i32
      %gt3A_156 = arith.cmpi sgt, %scan3A_72, %gt3A_155 : i32
      %convert_element_type3A_157 = arith.extui %gt3A_156 : i1 to i32
      %cond3A_158 = arith.constant 0 : i32
      %cond3A_159 = arith.cmpi ne, %convert_element_type3A_157, %cond3A_158 : i32
      scf.if %cond3A_159 {
        %dma_wait3A_535 = arith.constant 0 : i32
        %dma_wait3A_536 = arith.constant 0 : i32
        %dma_wait3A_537 = tpu.memref_slice %arg4[%mul3A_2, %dma_wait3A_535, %dma_wait3A_536] : memref<4096x200x128xf32, #tpu.memory_space<hbm>> -> memref<1x200x64xf32, #tpu.memory_space<hbm>>
        %dma_wait3A_538 = tpu.memref_squeeze %dma_wait3A_537 : memref<1x200x64xf32, #tpu.memory_space<hbm>> -> memref<200x64xf32, #tpu.memory_space<hbm>>
        %dma_wait3A_539 = arith.constant 0 : i32
        %dma_wait3A_540 = arith.constant 0 : i32
        %dma_wait3A_541 = tpu.memref_slice %arg4[%mul3A_2, %dma_wait3A_539, %dma_wait3A_540] : memref<4096x200x128xf32, #tpu.memory_space<hbm>> -> memref<1x200x64xf32, #tpu.memory_space<hbm>>
        %dma_wait3A_542 = tpu.memref_squeeze %dma_wait3A_541 : memref<1x200x64xf32, #tpu.memory_space<hbm>> -> memref<200x64xf32, #tpu.memory_space<hbm>>
        tpu.wait_dma2 semaphore(%arg25 : memref<!tpu.dma_semaphore, #tpu.memory_space<semaphore_mem>>) src(%arg9 : memref<200x64xf32, #tpu.memory_space<vmem>>) dst(%dma_wait3A_542 : memref<200x64xf32, #tpu.memory_space<hbm>>)
      } else {
      }
      %dma_start3A_160 = arith.constant 0 : i32
      %dma_start3A_161 = arith.constant 0 : i32
      %dma_start3A_162 = tpu.memref_slice %arg9[%dma_start3A_160, %dma_start3A_161] : memref<200x64xf32, #tpu.memory_space<vmem>> -> memref<128x64xf32, #tpu.memory_space<vmem>>
      %dma_start3A_163 = arith.constant 0 : i32
      %dma_start3A_164 = tpu.memref_slice %arg5[%add3A_154, %dma_start3A_163] : memref<128x200xi32, #tpu.memory_space<vmem>> -> memref<1x128xi32, #tpu.memory_space<vmem>>
      %dma_start3A_165 = tpu.memref_squeeze %dma_start3A_164 : memref<1x128xi32, #tpu.memory_space<vmem>> -> memref<128xi32, #tpu.memory_space<vmem>>
      %dma_start3A_166 = arith.constant 0 : i32
      %dma_start3A_167 = arith.constant 0 : i32
      %dma_start3A_168 = tpu.memref_slice %arg3[%dma_start3A_166, %dma_start3A_167] : memref<1000000x64xf32, #tpu.memory_space<hbm>> -> memref<1000000x64xf32, #tpu.memory_space<hbm>>
      tpu.enqueue_indirect_dma source(%dma_start3A_168 : memref<1000000x64xf32, #tpu.memory_space<hbm>>) target(%dma_start3A_162 : memref<128x64xf32, #tpu.memory_space<vmem>>) offsets(%dma_start3A_165 : memref<128xi32, #tpu.memory_space<vmem>>) semaphore(%arg17 : memref<!tpu.dma_semaphore, #tpu.memory_space<semaphore_mem>>)
      %dma_start3A_169 = arith.constant 128 : i32
      %dma_start3A_170 = arith.constant 0 : i32
      %dma_start3A_171 = tpu.memref_slice %arg9[%dma_start3A_169, %dma_start3A_170] : memref<200x64xf32, #tpu.memory_space<vmem>> -> memref<72x64xf32, #tpu.memory_space<vmem>>
      %dma_start3A_172 = arith.constant 128 : i32
      %dma_start3A_173 = tpu.memref_slice %arg5[%add3A_154, %dma_start3A_172] : memref<128x200xi32, #tpu.memory_space<vmem>> -> memref<1x72xi32, #tpu.memory_space<vmem>>
      %dma_start3A_174 = tpu.memref_squeeze %dma_start3A_173 : memref<1x72xi32, #tpu.memory_space<vmem>> -> memref<72xi32, #tpu.memory_space<vmem>>
      %dma_start3A_175 = arith.constant 0 : i32
      %dma_start3A_176 = arith.constant 0 : i32
      %dma_start3A_177 = tpu.memref_slice %arg3[%dma_start3A_175, %dma_start3A_176] : memref<1000000x64xf32, #tpu.memory_space<hbm>> -> memref<1000000x64xf32, #tpu.memory_space<hbm>>
      tpu.enqueue_indirect_dma source(%dma_start3A_177 : memref<1000000x64xf32, #tpu.memory_space<hbm>>) target(%dma_start3A_171 : memref<72x64xf32, #tpu.memory_space<vmem>>) offsets(%dma_start3A_174 : memref<72xi32, #tpu.memory_space<vmem>>) semaphore(%arg17 : memref<!tpu.dma_semaphore, #tpu.memory_space<semaphore_mem>>)
      %mul3A_178 = arith.constant 8 : i32
      %mul3A_179 = arith.muli %mul3A_178, %scan3A_72 : i32
      %add3A_180 = arith.constant 4 : i32
      %add3A_181 = arith.addi %mul3A_179, %add3A_180 : i32
      %gt3A_182 = arith.constant 0 : i32
      %gt3A_183 = arith.cmpi sgt, %scan3A_72, %gt3A_182 : i32
      %convert_element_type3A_184 = arith.extui %gt3A_183 : i1 to i32
      %cond3A_185 = arith.constant 0 : i32
      %cond3A_186 = arith.cmpi ne, %convert_element_type3A_184, %cond3A_185 : i32
      scf.if %cond3A_186 {
        %dma_wait3A_535 = arith.constant 0 : i32
        %dma_wait3A_536 = arith.constant 0 : i32
        %dma_wait3A_537 = tpu.memref_slice %arg4[%mul3A_2, %dma_wait3A_535, %dma_wait3A_536] : memref<4096x200x128xf32, #tpu.memory_space<hbm>> -> memref<1x200x64xf32, #tpu.memory_space<hbm>>
        %dma_wait3A_538 = tpu.memref_squeeze %dma_wait3A_537 : memref<1x200x64xf32, #tpu.memory_space<hbm>> -> memref<200x64xf32, #tpu.memory_space<hbm>>
        %dma_wait3A_539 = arith.constant 0 : i32
        %dma_wait3A_540 = arith.constant 0 : i32
        %dma_wait3A_541 = tpu.memref_slice %arg4[%mul3A_2, %dma_wait3A_539, %dma_wait3A_540] : memref<4096x200x128xf32, #tpu.memory_space<hbm>> -> memref<1x200x64xf32, #tpu.memory_space<hbm>>
        %dma_wait3A_542 = tpu.memref_squeeze %dma_wait3A_541 : memref<1x200x64xf32, #tpu.memory_space<hbm>> -> memref<200x64xf32, #tpu.memory_space<hbm>>
        tpu.wait_dma2 semaphore(%arg26 : memref<!tpu.dma_semaphore, #tpu.memory_space<semaphore_mem>>) src(%arg10 : memref<200x64xf32, #tpu.memory_space<vmem>>) dst(%dma_wait3A_542 : memref<200x64xf32, #tpu.memory_space<hbm>>)
      } else {
      }
      %dma_start3A_187 = arith.constant 0 : i32
      %dma_start3A_188 = arith.constant 0 : i32
      %dma_start3A_189 = tpu.memref_slice %arg10[%dma_start3A_187, %dma_start3A_188] : memref<200x64xf32, #tpu.memory_space<vmem>> -> memref<128x64xf32, #tpu.memory_space<vmem>>
      %dma_start3A_190 = arith.constant 0 : i32
      %dma_start3A_191 = tpu.memref_slice %arg5[%add3A_181, %dma_start3A_190] : memref<128x200xi32, #tpu.memory_space<vmem>> -> memref<1x128xi32, #tpu.memory_space<vmem>>
      %dma_start3A_192 = tpu.memref_squeeze %dma_start3A_191 : memref<1x128xi32, #tpu.memory_space<vmem>> -> memref<128xi32, #tpu.memory_space<vmem>>
      %dma_start3A_193 = arith.constant 0 : i32
      %dma_start3A_194 = arith.constant 0 : i32
      %dma_start3A_195 = tpu.memref_slice %arg3[%dma_start3A_193, %dma_start3A_194] : memref<1000000x64xf32, #tpu.memory_space<hbm>> -> memref<1000000x64xf32, #tpu.memory_space<hbm>>
      tpu.enqueue_indirect_dma source(%dma_start3A_195 : memref<1000000x64xf32, #tpu.memory_space<hbm>>) target(%dma_start3A_189 : memref<128x64xf32, #tpu.memory_space<vmem>>) offsets(%dma_start3A_192 : memref<128xi32, #tpu.memory_space<vmem>>) semaphore(%arg18 : memref<!tpu.dma_semaphore, #tpu.memory_space<semaphore_mem>>)
      %dma_start3A_196 = arith.constant 128 : i32
      %dma_start3A_197 = arith.constant 0 : i32
      %dma_start3A_198 = tpu.memref_slice %arg10[%dma_start3A_196, %dma_start3A_197] : memref<200x64xf32, #tpu.memory_space<vmem>> -> memref<72x64xf32, #tpu.memory_space<vmem>>
      %dma_start3A_199 = arith.constant 128 : i32
      %dma_start3A_200 = tpu.memref_slice %arg5[%add3A_181, %dma_start3A_199] : memref<128x200xi32, #tpu.memory_space<vmem>> -> memref<1x72xi32, #tpu.memory_space<vmem>>
      %dma_start3A_201 = tpu.memref_squeeze %dma_start3A_200 : memref<1x72xi32, #tpu.memory_space<vmem>> -> memref<72xi32, #tpu.memory_space<vmem>>
      %dma_start3A_202 = arith.constant 0 : i32
      %dma_start3A_203 = arith.constant 0 : i32
      %dma_start3A_204 = tpu.memref_slice %arg3[%dma_start3A_202, %dma_start3A_203] : memref<1000000x64xf32, #tpu.memory_space<hbm>> -> memref<1000000x64xf32, #tpu.memory_space<hbm>>
      tpu.enqueue_indirect_dma source(%dma_start3A_204 : memref<1000000x64xf32, #tpu.memory_space<hbm>>) target(%dma_start3A_198 : memref<72x64xf32, #tpu.memory_space<vmem>>) offsets(%dma_start3A_201 : memref<72xi32, #tpu.memory_space<vmem>>) semaphore(%arg18 : memref<!tpu.dma_semaphore, #tpu.memory_space<semaphore_mem>>)
      %mul3A_205 = arith.constant 8 : i32
      %mul3A_206 = arith.muli %mul3A_205, %scan3A_72 : i32
      %add3A_207 = arith.constant 5 : i32
      %add3A_208 = arith.addi %mul3A_206, %add3A_207 : i32
      %gt3A_209 = arith.constant 0 : i32
      %gt3A_210 = arith.cmpi sgt, %scan3A_72, %gt3A_209 : i32
      %convert_element_type3A_211 = arith.extui %gt3A_210 : i1 to i32
      %cond3A_212 = arith.constant 0 : i32
      %cond3A_213 = arith.cmpi ne, %convert_element_type3A_211, %cond3A_212 : i32
      scf.if %cond3A_213 {
        %dma_wait3A_535 = arith.constant 0 : i32
        %dma_wait3A_536 = arith.constant 0 : i32
        %dma_wait3A_537 = tpu.memref_slice %arg4[%mul3A_2, %dma_wait3A_535, %dma_wait3A_536] : memref<4096x200x128xf32, #tpu.memory_space<hbm>> -> memref<1x200x64xf32, #tpu.memory_space<hbm>>
        %dma_wait3A_538 = tpu.memref_squeeze %dma_wait3A_537 : memref<1x200x64xf32, #tpu.memory_space<hbm>> -> memref<200x64xf32, #tpu.memory_space<hbm>>
        %dma_wait3A_539 = arith.constant 0 : i32
        %dma_wait3A_540 = arith.constant 0 : i32
        %dma_wait3A_541 = tpu.memref_slice %arg4[%mul3A_2, %dma_wait3A_539, %dma_wait3A_540] : memref<4096x200x128xf32, #tpu.memory_space<hbm>> -> memref<1x200x64xf32, #tpu.memory_space<hbm>>
        %dma_wait3A_542 = tpu.memref_squeeze %dma_wait3A_541 : memref<1x200x64xf32, #tpu.memory_space<hbm>> -> memref<200x64xf32, #tpu.memory_space<hbm>>
        tpu.wait_dma2 semaphore(%arg27 : memref<!tpu.dma_semaphore, #tpu.memory_space<semaphore_mem>>) src(%arg11 : memref<200x64xf32, #tpu.memory_space<vmem>>) dst(%dma_wait3A_542 : memref<200x64xf32, #tpu.memory_space<hbm>>)
      } else {
      }
      %dma_start3A_214 = arith.constant 0 : i32
      %dma_start3A_215 = arith.constant 0 : i32
      %dma_start3A_216 = tpu.memref_slice %arg11[%dma_start3A_214, %dma_start3A_215] : memref<200x64xf32, #tpu.memory_space<vmem>> -> memref<128x64xf32, #tpu.memory_space<vmem>>
      %dma_start3A_217 = arith.constant 0 : i32
      %dma_start3A_218 = tpu.memref_slice %arg5[%add3A_208, %dma_start3A_217] : memref<128x200xi32, #tpu.memory_space<vmem>> -> memref<1x128xi32, #tpu.memory_space<vmem>>
      %dma_start3A_219 = tpu.memref_squeeze %dma_start3A_218 : memref<1x128xi32, #tpu.memory_space<vmem>> -> memref<128xi32, #tpu.memory_space<vmem>>
      %dma_start3A_220 = arith.constant 0 : i32
      %dma_start3A_221 = arith.constant 0 : i32
      %dma_start3A_222 = tpu.memref_slice %arg3[%dma_start3A_220, %dma_start3A_221] : memref<1000000x64xf32, #tpu.memory_space<hbm>> -> memref<1000000x64xf32, #tpu.memory_space<hbm>>
      tpu.enqueue_indirect_dma source(%dma_start3A_222 : memref<1000000x64xf32, #tpu.memory_space<hbm>>) target(%dma_start3A_216 : memref<128x64xf32, #tpu.memory_space<vmem>>) offsets(%dma_start3A_219 : memref<128xi32, #tpu.memory_space<vmem>>) semaphore(%arg19 : memref<!tpu.dma_semaphore, #tpu.memory_space<semaphore_mem>>)
      %dma_start3A_223 = arith.constant 128 : i32
      %dma_start3A_224 = arith.constant 0 : i32
      %dma_start3A_225 = tpu.memref_slice %arg11[%dma_start3A_223, %dma_start3A_224] : memref<200x64xf32, #tpu.memory_space<vmem>> -> memref<72x64xf32, #tpu.memory_space<vmem>>
      %dma_start3A_226 = arith.constant 128 : i32
      %dma_start3A_227 = tpu.memref_slice %arg5[%add3A_208, %dma_start3A_226] : memref<128x200xi32, #tpu.memory_space<vmem>> -> memref<1x72xi32, #tpu.memory_space<vmem>>
      %dma_start3A_228 = tpu.memref_squeeze %dma_start3A_227 : memref<1x72xi32, #tpu.memory_space<vmem>> -> memref<72xi32, #tpu.memory_space<vmem>>
      %dma_start3A_229 = arith.constant 0 : i32
      %dma_start3A_230 = arith.constant 0 : i32
      %dma_start3A_231 = tpu.memref_slice %arg3[%dma_start3A_229, %dma_start3A_230] : memref<1000000x64xf32, #tpu.memory_space<hbm>> -> memref<1000000x64xf32, #tpu.memory_space<hbm>>
      tpu.enqueue_indirect_dma source(%dma_start3A_231 : memref<1000000x64xf32, #tpu.memory_space<hbm>>) target(%dma_start3A_225 : memref<72x64xf32, #tpu.memory_space<vmem>>) offsets(%dma_start3A_228 : memref<72xi32, #tpu.memory_space<vmem>>) semaphore(%arg19 : memref<!tpu.dma_semaphore, #tpu.memory_space<semaphore_mem>>)
      %mul3A_232 = arith.constant 8 : i32
      %mul3A_233 = arith.muli %mul3A_232, %scan3A_72 : i32
      %add3A_234 = arith.constant 6 : i32
      %add3A_235 = arith.addi %mul3A_233, %add3A_234 : i32
      %gt3A_236 = arith.constant 0 : i32
      %gt3A_237 = arith.cmpi sgt, %scan3A_72, %gt3A_236 : i32
      %convert_element_type3A_238 = arith.extui %gt3A_237 : i1 to i32
      %cond3A_239 = arith.constant 0 : i32
      %cond3A_240 = arith.cmpi ne, %convert_element_type3A_238, %cond3A_239 : i32
      scf.if %cond3A_240 {
        %dma_wait3A_535 = arith.constant 0 : i32
        %dma_wait3A_536 = arith.constant 0 : i32
        %dma_wait3A_537 = tpu.memref_slice %arg4[%mul3A_2, %dma_wait3A_535, %dma_wait3A_536] : memref<4096x200x128xf32, #tpu.memory_space<hbm>> -> memref<1x200x64xf32, #tpu.memory_space<hbm>>
        %dma_wait3A_538 = tpu.memref_squeeze %dma_wait3A_537 : memref<1x200x64xf32, #tpu.memory_space<hbm>> -> memref<200x64xf32, #tpu.memory_space<hbm>>
        %dma_wait3A_539 = arith.constant 0 : i32
        %dma_wait3A_540 = arith.constant 0 : i32
        %dma_wait3A_541 = tpu.memref_slice %arg4[%mul3A_2, %dma_wait3A_539, %dma_wait3A_540] : memref<4096x200x128xf32, #tpu.memory_space<hbm>> -> memref<1x200x64xf32, #tpu.memory_space<hbm>>
        %dma_wait3A_542 = tpu.memref_squeeze %dma_wait3A_541 : memref<1x200x64xf32, #tpu.memory_space<hbm>> -> memref<200x64xf32, #tpu.memory_space<hbm>>
        tpu.wait_dma2 semaphore(%arg28 : memref<!tpu.dma_semaphore, #tpu.memory_space<semaphore_mem>>) src(%arg12 : memref<200x64xf32, #tpu.memory_space<vmem>>) dst(%dma_wait3A_542 : memref<200x64xf32, #tpu.memory_space<hbm>>)
      } else {
      }
      %dma_start3A_241 = arith.constant 0 : i32
      %dma_start3A_242 = arith.constant 0 : i32
      %dma_start3A_243 = tpu.memref_slice %arg12[%dma_start3A_241, %dma_start3A_242] : memref<200x64xf32, #tpu.memory_space<vmem>> -> memref<128x64xf32, #tpu.memory_space<vmem>>
      %dma_start3A_244 = arith.constant 0 : i32
      %dma_start3A_245 = tpu.memref_slice %arg5[%add3A_235, %dma_start3A_244] : memref<128x200xi32, #tpu.memory_space<vmem>> -> memref<1x128xi32, #tpu.memory_space<vmem>>
      %dma_start3A_246 = tpu.memref_squeeze %dma_start3A_245 : memref<1x128xi32, #tpu.memory_space<vmem>> -> memref<128xi32, #tpu.memory_space<vmem>>
      %dma_start3A_247 = arith.constant 0 : i32
      %dma_start3A_248 = arith.constant 0 : i32
      %dma_start3A_249 = tpu.memref_slice %arg3[%dma_start3A_247, %dma_start3A_248] : memref<1000000x64xf32, #tpu.memory_space<hbm>> -> memref<1000000x64xf32, #tpu.memory_space<hbm>>
      tpu.enqueue_indirect_dma source(%dma_start3A_249 : memref<1000000x64xf32, #tpu.memory_space<hbm>>) target(%dma_start3A_243 : memref<128x64xf32, #tpu.memory_space<vmem>>) offsets(%dma_start3A_246 : memref<128xi32, #tpu.memory_space<vmem>>) semaphore(%arg20 : memref<!tpu.dma_semaphore, #tpu.memory_space<semaphore_mem>>)
      %dma_start3A_250 = arith.constant 128 : i32
      %dma_start3A_251 = arith.constant 0 : i32
      %dma_start3A_252 = tpu.memref_slice %arg12[%dma_start3A_250, %dma_start3A_251] : memref<200x64xf32, #tpu.memory_space<vmem>> -> memref<72x64xf32, #tpu.memory_space<vmem>>
      %dma_start3A_253 = arith.constant 128 : i32
      %dma_start3A_254 = tpu.memref_slice %arg5[%add3A_235, %dma_start3A_253] : memref<128x200xi32, #tpu.memory_space<vmem>> -> memref<1x72xi32, #tpu.memory_space<vmem>>
      %dma_start3A_255 = tpu.memref_squeeze %dma_start3A_254 : memref<1x72xi32, #tpu.memory_space<vmem>> -> memref<72xi32, #tpu.memory_space<vmem>>
      %dma_start3A_256 = arith.constant 0 : i32
      %dma_start3A_257 = arith.constant 0 : i32
      %dma_start3A_258 = tpu.memref_slice %arg3[%dma_start3A_256, %dma_start3A_257] : memref<1000000x64xf32, #tpu.memory_space<hbm>> -> memref<1000000x64xf32, #tpu.memory_space<hbm>>
      tpu.enqueue_indirect_dma source(%dma_start3A_258 : memref<1000000x64xf32, #tpu.memory_space<hbm>>) target(%dma_start3A_252 : memref<72x64xf32, #tpu.memory_space<vmem>>) offsets(%dma_start3A_255 : memref<72xi32, #tpu.memory_space<vmem>>) semaphore(%arg20 : memref<!tpu.dma_semaphore, #tpu.memory_space<semaphore_mem>>)
      %mul3A_259 = arith.constant 8 : i32
      %mul3A_260 = arith.muli %mul3A_259, %scan3A_72 : i32
      %add3A_261 = arith.constant 7 : i32
      %add3A_262 = arith.addi %mul3A_260, %add3A_261 : i32
      %gt3A_263 = arith.constant 0 : i32
      %gt3A_264 = arith.cmpi sgt, %scan3A_72, %gt3A_263 : i32
      %convert_element_type3A_265 = arith.extui %gt3A_264 : i1 to i32
      %cond3A_266 = arith.constant 0 : i32
      %cond3A_267 = arith.cmpi ne, %convert_element_type3A_265, %cond3A_266 : i32
      scf.if %cond3A_267 {
        %dma_wait3A_535 = arith.constant 0 : i32
        %dma_wait3A_536 = arith.constant 0 : i32
        %dma_wait3A_537 = tpu.memref_slice %arg4[%mul3A_2, %dma_wait3A_535, %dma_wait3A_536] : memref<4096x200x128xf32, #tpu.memory_space<hbm>> -> memref<1x200x64xf32, #tpu.memory_space<hbm>>
        %dma_wait3A_538 = tpu.memref_squeeze %dma_wait3A_537 : memref<1x200x64xf32, #tpu.memory_space<hbm>> -> memref<200x64xf32, #tpu.memory_space<hbm>>
        %dma_wait3A_539 = arith.constant 0 : i32
        %dma_wait3A_540 = arith.constant 0 : i32
        %dma_wait3A_541 = tpu.memref_slice %arg4[%mul3A_2, %dma_wait3A_539, %dma_wait3A_540] : memref<4096x200x128xf32, #tpu.memory_space<hbm>> -> memref<1x200x64xf32, #tpu.memory_space<hbm>>
        %dma_wait3A_542 = tpu.memref_squeeze %dma_wait3A_541 : memref<1x200x64xf32, #tpu.memory_space<hbm>> -> memref<200x64xf32, #tpu.memory_space<hbm>>
        tpu.wait_dma2 semaphore(%arg29 : memref<!tpu.dma_semaphore, #tpu.memory_space<semaphore_mem>>) src(%arg13 : memref<200x64xf32, #tpu.memory_space<vmem>>) dst(%dma_wait3A_542 : memref<200x64xf32, #tpu.memory_space<hbm>>)
      } else {
      }
      %dma_start3A_268 = arith.constant 0 : i32
      %dma_start3A_269 = arith.constant 0 : i32
      %dma_start3A_270 = tpu.memref_slice %arg13[%dma_start3A_268, %dma_start3A_269] : memref<200x64xf32, #tpu.memory_space<vmem>> -> memref<128x64xf32, #tpu.memory_space<vmem>>
      %dma_start3A_271 = arith.constant 0 : i32
      %dma_start3A_272 = tpu.memref_slice %arg5[%add3A_262, %dma_start3A_271] : memref<128x200xi32, #tpu.memory_space<vmem>> -> memref<1x128xi32, #tpu.memory_space<vmem>>
      %dma_start3A_273 = tpu.memref_squeeze %dma_start3A_272 : memref<1x128xi32, #tpu.memory_space<vmem>> -> memref<128xi32, #tpu.memory_space<vmem>>
      %dma_start3A_274 = arith.constant 0 : i32
      %dma_start3A_275 = arith.constant 0 : i32
      %dma_start3A_276 = tpu.memref_slice %arg3[%dma_start3A_274, %dma_start3A_275] : memref<1000000x64xf32, #tpu.memory_space<hbm>> -> memref<1000000x64xf32, #tpu.memory_space<hbm>>
      tpu.enqueue_indirect_dma source(%dma_start3A_276 : memref<1000000x64xf32, #tpu.memory_space<hbm>>) target(%dma_start3A_270 : memref<128x64xf32, #tpu.memory_space<vmem>>) offsets(%dma_start3A_273 : memref<128xi32, #tpu.memory_space<vmem>>) semaphore(%arg21 : memref<!tpu.dma_semaphore, #tpu.memory_space<semaphore_mem>>)
      %dma_start3A_277 = arith.constant 128 : i32
      %dma_start3A_278 = arith.constant 0 : i32
      %dma_start3A_279 = tpu.memref_slice %arg13[%dma_start3A_277, %dma_start3A_278] : memref<200x64xf32, #tpu.memory_space<vmem>> -> memref<72x64xf32, #tpu.memory_space<vmem>>
      %dma_start3A_280 = arith.constant 128 : i32
      %dma_start3A_281 = tpu.memref_slice %arg5[%add3A_262, %dma_start3A_280] : memref<128x200xi32, #tpu.memory_space<vmem>> -> memref<1x72xi32, #tpu.memory_space<vmem>>
      %dma_start3A_282 = tpu.memref_squeeze %dma_start3A_281 : memref<1x72xi32, #tpu.memory_space<vmem>> -> memref<72xi32, #tpu.memory_space<vmem>>
      %dma_start3A_283 = arith.constant 0 : i32
      %dma_start3A_284 = arith.constant 0 : i32
      %dma_start3A_285 = tpu.memref_slice %arg3[%dma_start3A_283, %dma_start3A_284] : memref<1000000x64xf32, #tpu.memory_space<hbm>> -> memref<1000000x64xf32, #tpu.memory_space<hbm>>
      tpu.enqueue_indirect_dma source(%dma_start3A_285 : memref<1000000x64xf32, #tpu.memory_space<hbm>>) target(%dma_start3A_279 : memref<72x64xf32, #tpu.memory_space<vmem>>) offsets(%dma_start3A_282 : memref<72xi32, #tpu.memory_space<vmem>>) semaphore(%arg21 : memref<!tpu.dma_semaphore, #tpu.memory_space<semaphore_mem>>)
      %mul3A_286 = arith.constant 8 : i32
      %mul3A_287 = arith.muli %mul3A_286, %scan3A_72 : i32
      %add3A_288 = arith.constant 0 : i32
      %add3A_289 = arith.addi %mul3A_287, %add3A_288 : i32
      %dma_wait3A_290 = arith.constant 0 : i32
      %dma_wait3A_291 = arith.constant 0 : i32
      %dma_wait3A_292 = tpu.memref_slice %arg6[%dma_wait3A_290, %dma_wait3A_291] : memref<200x64xf32, #tpu.memory_space<vmem>> -> memref<128x64xf32, #tpu.memory_space<vmem>>
      %dma_wait3A_293 = arith.constant 0 : i32
      %dma_wait3A_294 = tpu.memref_slice %arg5[%add3A_289, %dma_wait3A_293] : memref<128x200xi32, #tpu.memory_space<vmem>> -> memref<1x128xi32, #tpu.memory_space<vmem>>
      %dma_wait3A_295 = tpu.memref_squeeze %dma_wait3A_294 : memref<1x128xi32, #tpu.memory_space<vmem>> -> memref<128xi32, #tpu.memory_space<vmem>>
      %dma_wait3A_296 = arith.constant 0 : i32
      %dma_wait3A_297 = arith.constant 0 : i32
      %dma_wait3A_298 = tpu.memref_slice %arg3[%dma_wait3A_296, %dma_wait3A_297] : memref<1000000x64xf32, #tpu.memory_space<hbm>> -> memref<1000000x64xf32, #tpu.memory_space<hbm>>
      tpu.wait_indirect_dma semaphore(%arg14 : memref<!tpu.dma_semaphore, #tpu.memory_space<semaphore_mem>>) src(%dma_wait3A_298 : memref<1000000x64xf32, #tpu.memory_space<hbm>>) dst(%dma_wait3A_292 : memref<128x64xf32, #tpu.memory_space<vmem>>)
      %dma_wait3A_299 = arith.constant 128 : i32
      %dma_wait3A_300 = arith.constant 0 : i32
      %dma_wait3A_301 = tpu.memref_slice %arg6[%dma_wait3A_299, %dma_wait3A_300] : memref<200x64xf32, #tpu.memory_space<vmem>> -> memref<72x64xf32, #tpu.memory_space<vmem>>
      %dma_wait3A_302 = arith.constant 128 : i32
      %dma_wait3A_303 = tpu.memref_slice %arg5[%add3A_289, %dma_wait3A_302] : memref<128x200xi32, #tpu.memory_space<vmem>> -> memref<1x72xi32, #tpu.memory_space<vmem>>
      %dma_wait3A_304 = tpu.memref_squeeze %dma_wait3A_303 : memref<1x72xi32, #tpu.memory_space<vmem>> -> memref<72xi32, #tpu.memory_space<vmem>>
      %dma_wait3A_305 = arith.constant 0 : i32
      %dma_wait3A_306 = arith.constant 0 : i32
      %dma_wait3A_307 = tpu.memref_slice %arg3[%dma_wait3A_305, %dma_wait3A_306] : memref<1000000x64xf32, #tpu.memory_space<hbm>> -> memref<1000000x64xf32, #tpu.memory_space<hbm>>
      tpu.wait_indirect_dma semaphore(%arg14 : memref<!tpu.dma_semaphore, #tpu.memory_space<semaphore_mem>>) src(%dma_wait3A_307 : memref<1000000x64xf32, #tpu.memory_space<hbm>>) dst(%dma_wait3A_301 : memref<72x64xf32, #tpu.memory_space<vmem>>)
      %add3A_308 = arith.addi %mul3A_2, %add3A_289 : i32
      %dma_start3A_309 = arith.constant 0 : i32
      %dma_start3A_310 = arith.constant 0 : i32
      %dma_start3A_311 = tpu.memref_slice %arg4[%add3A_308, %dma_start3A_309, %dma_start3A_310] : memref<4096x200x128xf32, #tpu.memory_space<hbm>> -> memref<1x200x64xf32, #tpu.memory_space<hbm>>
      %dma_start3A_312 = tpu.memref_squeeze %dma_start3A_311 : memref<1x200x64xf32, #tpu.memory_space<hbm>> -> memref<200x64xf32, #tpu.memory_space<hbm>>
      %dma_start3A_313 = arith.constant 0 : i32
      %dma_start3A_314 = arith.constant 0 : i32
      %dma_start3A_315 = tpu.memref_slice %arg4[%add3A_308, %dma_start3A_313, %dma_start3A_314] : memref<4096x200x128xf32, #tpu.memory_space<hbm>> -> memref<1x200x64xf32, #tpu.memory_space<hbm>>
      %dma_start3A_316 = tpu.memref_squeeze %dma_start3A_315 : memref<1x200x64xf32, #tpu.memory_space<hbm>> -> memref<200x64xf32, #tpu.memory_space<hbm>>
      tpu.enqueue_dma source(%arg6 : memref<200x64xf32, #tpu.memory_space<vmem>>) target(%dma_start3A_316 : memref<200x64xf32, #tpu.memory_space<hbm>>) target_semaphore(%arg22 : memref<!tpu.dma_semaphore, #tpu.memory_space<semaphore_mem>>)
      %mul3A_317 = arith.constant 8 : i32
      %mul3A_318 = arith.muli %mul3A_317, %scan3A_72 : i32
      %add3A_319 = arith.constant 1 : i32
      %add3A_320 = arith.addi %mul3A_318, %add3A_319 : i32
      %dma_wait3A_321 = arith.constant 0 : i32
      %dma_wait3A_322 = arith.constant 0 : i32
      %dma_wait3A_323 = tpu.memref_slice %arg7[%dma_wait3A_321, %dma_wait3A_322] : memref<200x64xf32, #tpu.memory_space<vmem>> -> memref<128x64xf32, #tpu.memory_space<vmem>>
      %dma_wait3A_324 = arith.constant 0 : i32
      %dma_wait3A_325 = tpu.memref_slice %arg5[%add3A_320, %dma_wait3A_324] : memref<128x200xi32, #tpu.memory_space<vmem>> -> memref<1x128xi32, #tpu.memory_space<vmem>>
      %dma_wait3A_326 = tpu.memref_squeeze %dma_wait3A_325 : memref<1x128xi32, #tpu.memory_space<vmem>> -> memref<128xi32, #tpu.memory_space<vmem>>
      %dma_wait3A_327 = arith.constant 0 : i32
      %dma_wait3A_328 = arith.constant 0 : i32
      %dma_wait3A_329 = tpu.memref_slice %arg3[%dma_wait3A_327, %dma_wait3A_328] : memref<1000000x64xf32, #tpu.memory_space<hbm>> -> memref<1000000x64xf32, #tpu.memory_space<hbm>>
      tpu.wait_indirect_dma semaphore(%arg15 : memref<!tpu.dma_semaphore, #tpu.memory_space<semaphore_mem>>) src(%dma_wait3A_329 : memref<1000000x64xf32, #tpu.memory_space<hbm>>) dst(%dma_wait3A_323 : memref<128x64xf32, #tpu.memory_space<vmem>>)
      %dma_wait3A_330 = arith.constant 128 : i32
      %dma_wait3A_331 = arith.constant 0 : i32
      %dma_wait3A_332 = tpu.memref_slice %arg7[%dma_wait3A_330, %dma_wait3A_331] : memref<200x64xf32, #tpu.memory_space<vmem>> -> memref<72x64xf32, #tpu.memory_space<vmem>>
      %dma_wait3A_333 = arith.constant 128 : i32
      %dma_wait3A_334 = tpu.memref_slice %arg5[%add3A_320, %dma_wait3A_333] : memref<128x200xi32, #tpu.memory_space<vmem>> -> memref<1x72xi32, #tpu.memory_space<vmem>>
      %dma_wait3A_335 = tpu.memref_squeeze %dma_wait3A_334 : memref<1x72xi32, #tpu.memory_space<vmem>> -> memref<72xi32, #tpu.memory_space<vmem>>
      %dma_wait3A_336 = arith.constant 0 : i32
      %dma_wait3A_337 = arith.constant 0 : i32
      %dma_wait3A_338 = tpu.memref_slice %arg3[%dma_wait3A_336, %dma_wait3A_337] : memref<1000000x64xf32, #tpu.memory_space<hbm>> -> memref<1000000x64xf32, #tpu.memory_space<hbm>>
      tpu.wait_indirect_dma semaphore(%arg15 : memref<!tpu.dma_semaphore, #tpu.memory_space<semaphore_mem>>) src(%dma_wait3A_338 : memref<1000000x64xf32, #tpu.memory_space<hbm>>) dst(%dma_wait3A_332 : memref<72x64xf32, #tpu.memory_space<vmem>>)
      %add3A_339 = arith.addi %mul3A_2, %add3A_320 : i32
      %dma_start3A_340 = arith.constant 0 : i32
      %dma_start3A_341 = arith.constant 0 : i32
      %dma_start3A_342 = tpu.memref_slice %arg4[%add3A_339, %dma_start3A_340, %dma_start3A_341] : memref<4096x200x128xf32, #tpu.memory_space<hbm>> -> memref<1x200x64xf32, #tpu.memory_space<hbm>>
      %dma_start3A_343 = tpu.memref_squeeze %dma_start3A_342 : memref<1x200x64xf32, #tpu.memory_space<hbm>> -> memref<200x64xf32, #tpu.memory_space<hbm>>
      %dma_start3A_344 = arith.constant 0 : i32
      %dma_start3A_345 = arith.constant 0 : i32
      %dma_start3A_346 = tpu.memref_slice %arg4[%add3A_339, %dma_start3A_344, %dma_start3A_345] : memref<4096x200x128xf32, #tpu.memory_space<hbm>> -> memref<1x200x64xf32, #tpu.memory_space<hbm>>
      %dma_start3A_347 = tpu.memref_squeeze %dma_start3A_346 : memref<1x200x64xf32, #tpu.memory_space<hbm>> -> memref<200x64xf32, #tpu.memory_space<hbm>>
      tpu.enqueue_dma source(%arg7 : memref<200x64xf32, #tpu.memory_space<vmem>>) target(%dma_start3A_347 : memref<200x64xf32, #tpu.memory_space<hbm>>) target_semaphore(%arg23 : memref<!tpu.dma_semaphore, #tpu.memory_space<semaphore_mem>>)
      %mul3A_348 = arith.constant 8 : i32
      %mul3A_349 = arith.muli %mul3A_348, %scan3A_72 : i32
      %add3A_350 = arith.constant 2 : i32
      %add3A_351 = arith.addi %mul3A_349, %add3A_350 : i32
      %dma_wait3A_352 = arith.constant 0 : i32
      %dma_wait3A_353 = arith.constant 0 : i32
      %dma_wait3A_354 = tpu.memref_slice %arg8[%dma_wait3A_352, %dma_wait3A_353] : memref<200x64xf32, #tpu.memory_space<vmem>> -> memref<128x64xf32, #tpu.memory_space<vmem>>
      %dma_wait3A_355 = arith.constant 0 : i32
      %dma_wait3A_356 = tpu.memref_slice %arg5[%add3A_351, %dma_wait3A_355] : memref<128x200xi32, #tpu.memory_space<vmem>> -> memref<1x128xi32, #tpu.memory_space<vmem>>
      %dma_wait3A_357 = tpu.memref_squeeze %dma_wait3A_356 : memref<1x128xi32, #tpu.memory_space<vmem>> -> memref<128xi32, #tpu.memory_space<vmem>>
      %dma_wait3A_358 = arith.constant 0 : i32
      %dma_wait3A_359 = arith.constant 0 : i32
      %dma_wait3A_360 = tpu.memref_slice %arg3[%dma_wait3A_358, %dma_wait3A_359] : memref<1000000x64xf32, #tpu.memory_space<hbm>> -> memref<1000000x64xf32, #tpu.memory_space<hbm>>
      tpu.wait_indirect_dma semaphore(%arg16 : memref<!tpu.dma_semaphore, #tpu.memory_space<semaphore_mem>>) src(%dma_wait3A_360 : memref<1000000x64xf32, #tpu.memory_space<hbm>>) dst(%dma_wait3A_354 : memref<128x64xf32, #tpu.memory_space<vmem>>)
      %dma_wait3A_361 = arith.constant 128 : i32
      %dma_wait3A_362 = arith.constant 0 : i32
      %dma_wait3A_363 = tpu.memref_slice %arg8[%dma_wait3A_361, %dma_wait3A_362] : memref<200x64xf32, #tpu.memory_space<vmem>> -> memref<72x64xf32, #tpu.memory_space<vmem>>
      %dma_wait3A_364 = arith.constant 128 : i32
      %dma_wait3A_365 = tpu.memref_slice %arg5[%add3A_351, %dma_wait3A_364] : memref<128x200xi32, #tpu.memory_space<vmem>> -> memref<1x72xi32, #tpu.memory_space<vmem>>
      %dma_wait3A_366 = tpu.memref_squeeze %dma_wait3A_365 : memref<1x72xi32, #tpu.memory_space<vmem>> -> memref<72xi32, #tpu.memory_space<vmem>>
      %dma_wait3A_367 = arith.constant 0 : i32
      %dma_wait3A_368 = arith.constant 0 : i32
      %dma_wait3A_369 = tpu.memref_slice %arg3[%dma_wait3A_367, %dma_wait3A_368] : memref<1000000x64xf32, #tpu.memory_space<hbm>> -> memref<1000000x64xf32, #tpu.memory_space<hbm>>
      tpu.wait_indirect_dma semaphore(%arg16 : memref<!tpu.dma_semaphore, #tpu.memory_space<semaphore_mem>>) src(%dma_wait3A_369 : memref<1000000x64xf32, #tpu.memory_space<hbm>>) dst(%dma_wait3A_363 : memref<72x64xf32, #tpu.memory_space<vmem>>)
      %add3A_370 = arith.addi %mul3A_2, %add3A_351 : i32
      %dma_start3A_371 = arith.constant 0 : i32
      %dma_start3A_372 = arith.constant 0 : i32
      %dma_start3A_373 = tpu.memref_slice %arg4[%add3A_370, %dma_start3A_371, %dma_start3A_372] : memref<4096x200x128xf32, #tpu.memory_space<hbm>> -> memref<1x200x64xf32, #tpu.memory_space<hbm>>
      %dma_start3A_374 = tpu.memref_squeeze %dma_start3A_373 : memref<1x200x64xf32, #tpu.memory_space<hbm>> -> memref<200x64xf32, #tpu.memory_space<hbm>>
      %dma_start3A_375 = arith.constant 0 : i32
      %dma_start3A_376 = arith.constant 0 : i32
      %dma_start3A_377 = tpu.memref_slice %arg4[%add3A_370, %dma_start3A_375, %dma_start3A_376] : memref<4096x200x128xf32, #tpu.memory_space<hbm>> -> memref<1x200x64xf32, #tpu.memory_space<hbm>>
      %dma_start3A_378 = tpu.memref_squeeze %dma_start3A_377 : memref<1x200x64xf32, #tpu.memory_space<hbm>> -> memref<200x64xf32, #tpu.memory_space<hbm>>
      tpu.enqueue_dma source(%arg8 : memref<200x64xf32, #tpu.memory_space<vmem>>) target(%dma_start3A_378 : memref<200x64xf32, #tpu.memory_space<hbm>>) target_semaphore(%arg24 : memref<!tpu.dma_semaphore, #tpu.memory_space<semaphore_mem>>)
      %mul3A_379 = arith.constant 8 : i32
      %mul3A_380 = arith.muli %mul3A_379, %scan3A_72 : i32
      %add3A_381 = arith.constant 3 : i32
      %add3A_382 = arith.addi %mul3A_380, %add3A_381 : i32
      %dma_wait3A_383 = arith.constant 0 : i32
      %dma_wait3A_384 = arith.constant 0 : i32
      %dma_wait3A_385 = tpu.memref_slice %arg9[%dma_wait3A_383, %dma_wait3A_384] : memref<200x64xf32, #tpu.memory_space<vmem>> -> memref<128x64xf32, #tpu.memory_space<vmem>>
      %dma_wait3A_386 = arith.constant 0 : i32
      %dma_wait3A_387 = tpu.memref_slice %arg5[%add3A_382, %dma_wait3A_386] : memref<128x200xi32, #tpu.memory_space<vmem>> -> memref<1x128xi32, #tpu.memory_space<vmem>>
      %dma_wait3A_388 = tpu.memref_squeeze %dma_wait3A_387 : memref<1x128xi32, #tpu.memory_space<vmem>> -> memref<128xi32, #tpu.memory_space<vmem>>
      %dma_wait3A_389 = arith.constant 0 : i32
      %dma_wait3A_390 = arith.constant 0 : i32
      %dma_wait3A_391 = tpu.memref_slice %arg3[%dma_wait3A_389, %dma_wait3A_390] : memref<1000000x64xf32, #tpu.memory_space<hbm>> -> memref<1000000x64xf32, #tpu.memory_space<hbm>>
      tpu.wait_indirect_dma semaphore(%arg17 : memref<!tpu.dma_semaphore, #tpu.memory_space<semaphore_mem>>) src(%dma_wait3A_391 : memref<1000000x64xf32, #tpu.memory_space<hbm>>) dst(%dma_wait3A_385 : memref<128x64xf32, #tpu.memory_space<vmem>>)
      %dma_wait3A_392 = arith.constant 128 : i32
      %dma_wait3A_393 = arith.constant 0 : i32
      %dma_wait3A_394 = tpu.memref_slice %arg9[%dma_wait3A_392, %dma_wait3A_393] : memref<200x64xf32, #tpu.memory_space<vmem>> -> memref<72x64xf32, #tpu.memory_space<vmem>>
      %dma_wait3A_395 = arith.constant 128 : i32
      %dma_wait3A_396 = tpu.memref_slice %arg5[%add3A_382, %dma_wait3A_395] : memref<128x200xi32, #tpu.memory_space<vmem>> -> memref<1x72xi32, #tpu.memory_space<vmem>>
      %dma_wait3A_397 = tpu.memref_squeeze %dma_wait3A_396 : memref<1x72xi32, #tpu.memory_space<vmem>> -> memref<72xi32, #tpu.memory_space<vmem>>
      %dma_wait3A_398 = arith.constant 0 : i32
      %dma_wait3A_399 = arith.constant 0 : i32
      %dma_wait3A_400 = tpu.memref_slice %arg3[%dma_wait3A_398, %dma_wait3A_399] : memref<1000000x64xf32, #tpu.memory_space<hbm>> -> memref<1000000x64xf32, #tpu.memory_space<hbm>>
      tpu.wait_indirect_dma semaphore(%arg17 : memref<!tpu.dma_semaphore, #tpu.memory_space<semaphore_mem>>) src(%dma_wait3A_400 : memref<1000000x64xf32, #tpu.memory_space<hbm>>) dst(%dma_wait3A_394 : memref<72x64xf32, #tpu.memory_space<vmem>>)
      %add3A_401 = arith.addi %mul3A_2, %add3A_382 : i32
      %dma_start3A_402 = arith.constant 0 : i32
      %dma_start3A_403 = arith.constant 0 : i32
      %dma_start3A_404 = tpu.memref_slice %arg4[%add3A_401, %dma_start3A_402, %dma_start3A_403] : memref<4096x200x128xf32, #tpu.memory_space<hbm>> -> memref<1x200x64xf32, #tpu.memory_space<hbm>>
      %dma_start3A_405 = tpu.memref_squeeze %dma_start3A_404 : memref<1x200x64xf32, #tpu.memory_space<hbm>> -> memref<200x64xf32, #tpu.memory_space<hbm>>
      %dma_start3A_406 = arith.constant 0 : i32
      %dma_start3A_407 = arith.constant 0 : i32
      %dma_start3A_408 = tpu.memref_slice %arg4[%add3A_401, %dma_start3A_406, %dma_start3A_407] : memref<4096x200x128xf32, #tpu.memory_space<hbm>> -> memref<1x200x64xf32, #tpu.memory_space<hbm>>
      %dma_start3A_409 = tpu.memref_squeeze %dma_start3A_408 : memref<1x200x64xf32, #tpu.memory_space<hbm>> -> memref<200x64xf32, #tpu.memory_space<hbm>>
      tpu.enqueue_dma source(%arg9 : memref<200x64xf32, #tpu.memory_space<vmem>>) target(%dma_start3A_409 : memref<200x64xf32, #tpu.memory_space<hbm>>) target_semaphore(%arg25 : memref<!tpu.dma_semaphore, #tpu.memory_space<semaphore_mem>>)
      %mul3A_410 = arith.constant 8 : i32
      %mul3A_411 = arith.muli %mul3A_410, %scan3A_72 : i32
      %add3A_412 = arith.constant 4 : i32
      %add3A_413 = arith.addi %mul3A_411, %add3A_412 : i32
      %dma_wait3A_414 = arith.constant 0 : i32
      %dma_wait3A_415 = arith.constant 0 : i32
      %dma_wait3A_416 = tpu.memref_slice %arg10[%dma_wait3A_414, %dma_wait3A_415] : memref<200x64xf32, #tpu.memory_space<vmem>> -> memref<128x64xf32, #tpu.memory_space<vmem>>
      %dma_wait3A_417 = arith.constant 0 : i32
      %dma_wait3A_418 = tpu.memref_slice %arg5[%add3A_413, %dma_wait3A_417] : memref<128x200xi32, #tpu.memory_space<vmem>> -> memref<1x128xi32, #tpu.memory_space<vmem>>
      %dma_wait3A_419 = tpu.memref_squeeze %dma_wait3A_418 : memref<1x128xi32, #tpu.memory_space<vmem>> -> memref<128xi32, #tpu.memory_space<vmem>>
      %dma_wait3A_420 = arith.constant 0 : i32
      %dma_wait3A_421 = arith.constant 0 : i32
      %dma_wait3A_422 = tpu.memref_slice %arg3[%dma_wait3A_420, %dma_wait3A_421] : memref<1000000x64xf32, #tpu.memory_space<hbm>> -> memref<1000000x64xf32, #tpu.memory_space<hbm>>
      tpu.wait_indirect_dma semaphore(%arg18 : memref<!tpu.dma_semaphore, #tpu.memory_space<semaphore_mem>>) src(%dma_wait3A_422 : memref<1000000x64xf32, #tpu.memory_space<hbm>>) dst(%dma_wait3A_416 : memref<128x64xf32, #tpu.memory_space<vmem>>)
      %dma_wait3A_423 = arith.constant 128 : i32
      %dma_wait3A_424 = arith.constant 0 : i32
      %dma_wait3A_425 = tpu.memref_slice %arg10[%dma_wait3A_423, %dma_wait3A_424] : memref<200x64xf32, #tpu.memory_space<vmem>> -> memref<72x64xf32, #tpu.memory_space<vmem>>
      %dma_wait3A_426 = arith.constant 128 : i32
      %dma_wait3A_427 = tpu.memref_slice %arg5[%add3A_413, %dma_wait3A_426] : memref<128x200xi32, #tpu.memory_space<vmem>> -> memref<1x72xi32, #tpu.memory_space<vmem>>
      %dma_wait3A_428 = tpu.memref_squeeze %dma_wait3A_427 : memref<1x72xi32, #tpu.memory_space<vmem>> -> memref<72xi32, #tpu.memory_space<vmem>>
      %dma_wait3A_429 = arith.constant 0 : i32
      %dma_wait3A_430 = arith.constant 0 : i32
      %dma_wait3A_431 = tpu.memref_slice %arg3[%dma_wait3A_429, %dma_wait3A_430] : memref<1000000x64xf32, #tpu.memory_space<hbm>> -> memref<1000000x64xf32, #tpu.memory_space<hbm>>
      tpu.wait_indirect_dma semaphore(%arg18 : memref<!tpu.dma_semaphore, #tpu.memory_space<semaphore_mem>>) src(%dma_wait3A_431 : memref<1000000x64xf32, #tpu.memory_space<hbm>>) dst(%dma_wait3A_425 : memref<72x64xf32, #tpu.memory_space<vmem>>)
      %add3A_432 = arith.addi %mul3A_2, %add3A_413 : i32
      %dma_start3A_433 = arith.constant 0 : i32
      %dma_start3A_434 = arith.constant 0 : i32
      %dma_start3A_435 = tpu.memref_slice %arg4[%add3A_432, %dma_start3A_433, %dma_start3A_434] : memref<4096x200x128xf32, #tpu.memory_space<hbm>> -> memref<1x200x64xf32, #tpu.memory_space<hbm>>
      %dma_start3A_436 = tpu.memref_squeeze %dma_start3A_435 : memref<1x200x64xf32, #tpu.memory_space<hbm>> -> memref<200x64xf32, #tpu.memory_space<hbm>>
      %dma_start3A_437 = arith.constant 0 : i32
      %dma_start3A_438 = arith.constant 0 : i32
      %dma_start3A_439 = tpu.memref_slice %arg4[%add3A_432, %dma_start3A_437, %dma_start3A_438] : memref<4096x200x128xf32, #tpu.memory_space<hbm>> -> memref<1x200x64xf32, #tpu.memory_space<hbm>>
      %dma_start3A_440 = tpu.memref_squeeze %dma_start3A_439 : memref<1x200x64xf32, #tpu.memory_space<hbm>> -> memref<200x64xf32, #tpu.memory_space<hbm>>
      tpu.enqueue_dma source(%arg10 : memref<200x64xf32, #tpu.memory_space<vmem>>) target(%dma_start3A_440 : memref<200x64xf32, #tpu.memory_space<hbm>>) target_semaphore(%arg26 : memref<!tpu.dma_semaphore, #tpu.memory_space<semaphore_mem>>)
      %mul3A_441 = arith.constant 8 : i32
      %mul3A_442 = arith.muli %mul3A_441, %scan3A_72 : i32
      %add3A_443 = arith.constant 5 : i32
      %add3A_444 = arith.addi %mul3A_442, %add3A_443 : i32
      %dma_wait3A_445 = arith.constant 0 : i32
      %dma_wait3A_446 = arith.constant 0 : i32
      %dma_wait3A_447 = tpu.memref_slice %arg11[%dma_wait3A_445, %dma_wait3A_446] : memref<200x64xf32, #tpu.memory_space<vmem>> -> memref<128x64xf32, #tpu.memory_space<vmem>>
      %dma_wait3A_448 = arith.constant 0 : i32
      %dma_wait3A_449 = tpu.memref_slice %arg5[%add3A_444, %dma_wait3A_448] : memref<128x200xi32, #tpu.memory_space<vmem>> -> memref<1x128xi32, #tpu.memory_space<vmem>>
      %dma_wait3A_450 = tpu.memref_squeeze %dma_wait3A_449 : memref<1x128xi32, #tpu.memory_space<vmem>> -> memref<128xi32, #tpu.memory_space<vmem>>
      %dma_wait3A_451 = arith.constant 0 : i32
      %dma_wait3A_452 = arith.constant 0 : i32
      %dma_wait3A_453 = tpu.memref_slice %arg3[%dma_wait3A_451, %dma_wait3A_452] : memref<1000000x64xf32, #tpu.memory_space<hbm>> -> memref<1000000x64xf32, #tpu.memory_space<hbm>>
      tpu.wait_indirect_dma semaphore(%arg19 : memref<!tpu.dma_semaphore, #tpu.memory_space<semaphore_mem>>) src(%dma_wait3A_453 : memref<1000000x64xf32, #tpu.memory_space<hbm>>) dst(%dma_wait3A_447 : memref<128x64xf32, #tpu.memory_space<vmem>>)
      %dma_wait3A_454 = arith.constant 128 : i32
      %dma_wait3A_455 = arith.constant 0 : i32
      %dma_wait3A_456 = tpu.memref_slice %arg11[%dma_wait3A_454, %dma_wait3A_455] : memref<200x64xf32, #tpu.memory_space<vmem>> -> memref<72x64xf32, #tpu.memory_space<vmem>>
      %dma_wait3A_457 = arith.constant 128 : i32
      %dma_wait3A_458 = tpu.memref_slice %arg5[%add3A_444, %dma_wait3A_457] : memref<128x200xi32, #tpu.memory_space<vmem>> -> memref<1x72xi32, #tpu.memory_space<vmem>>
      %dma_wait3A_459 = tpu.memref_squeeze %dma_wait3A_458 : memref<1x72xi32, #tpu.memory_space<vmem>> -> memref<72xi32, #tpu.memory_space<vmem>>
      %dma_wait3A_460 = arith.constant 0 : i32
      %dma_wait3A_461 = arith.constant 0 : i32
      %dma_wait3A_462 = tpu.memref_slice %arg3[%dma_wait3A_460, %dma_wait3A_461] : memref<1000000x64xf32, #tpu.memory_space<hbm>> -> memref<1000000x64xf32, #tpu.memory_space<hbm>>
      tpu.wait_indirect_dma semaphore(%arg19 : memref<!tpu.dma_semaphore, #tpu.memory_space<semaphore_mem>>) src(%dma_wait3A_462 : memref<1000000x64xf32, #tpu.memory_space<hbm>>) dst(%dma_wait3A_456 : memref<72x64xf32, #tpu.memory_space<vmem>>)
      %add3A_463 = arith.addi %mul3A_2, %add3A_444 : i32
      %dma_start3A_464 = arith.constant 0 : i32
      %dma_start3A_465 = arith.constant 0 : i32
      %dma_start3A_466 = tpu.memref_slice %arg4[%add3A_463, %dma_start3A_464, %dma_start3A_465] : memref<4096x200x128xf32, #tpu.memory_space<hbm>> -> memref<1x200x64xf32, #tpu.memory_space<hbm>>
      %dma_start3A_467 = tpu.memref_squeeze %dma_start3A_466 : memref<1x200x64xf32, #tpu.memory_space<hbm>> -> memref<200x64xf32, #tpu.memory_space<hbm>>
      %dma_start3A_468 = arith.constant 0 : i32
      %dma_start3A_469 = arith.constant 0 : i32
      %dma_start3A_470 = tpu.memref_slice %arg4[%add3A_463, %dma_start3A_468, %dma_start3A_469] : memref<4096x200x128xf32, #tpu.memory_space<hbm>> -> memref<1x200x64xf32, #tpu.memory_space<hbm>>
      %dma_start3A_471 = tpu.memref_squeeze %dma_start3A_470 : memref<1x200x64xf32, #tpu.memory_space<hbm>> -> memref<200x64xf32, #tpu.memory_space<hbm>>
      tpu.enqueue_dma source(%arg11 : memref<200x64xf32, #tpu.memory_space<vmem>>) target(%dma_start3A_471 : memref<200x64xf32, #tpu.memory_space<hbm>>) target_semaphore(%arg27 : memref<!tpu.dma_semaphore, #tpu.memory_space<semaphore_mem>>)
      %mul3A_472 = arith.constant 8 : i32
      %mul3A_473 = arith.muli %mul3A_472, %scan3A_72 : i32
      %add3A_474 = arith.constant 6 : i32
      %add3A_475 = arith.addi %mul3A_473, %add3A_474 : i32
      %dma_wait3A_476 = arith.constant 0 : i32
      %dma_wait3A_477 = arith.constant 0 : i32
      %dma_wait3A_478 = tpu.memref_slice %arg12[%dma_wait3A_476, %dma_wait3A_477] : memref<200x64xf32, #tpu.memory_space<vmem>> -> memref<128x64xf32, #tpu.memory_space<vmem>>
      %dma_wait3A_479 = arith.constant 0 : i32
      %dma_wait3A_480 = tpu.memref_slice %arg5[%add3A_475, %dma_wait3A_479] : memref<128x200xi32, #tpu.memory_space<vmem>> -> memref<1x128xi32, #tpu.memory_space<vmem>>
      %dma_wait3A_481 = tpu.memref_squeeze %dma_wait3A_480 : memref<1x128xi32, #tpu.memory_space<vmem>> -> memref<128xi32, #tpu.memory_space<vmem>>
      %dma_wait3A_482 = arith.constant 0 : i32
      %dma_wait3A_483 = arith.constant 0 : i32
      %dma_wait3A_484 = tpu.memref_slice %arg3[%dma_wait3A_482, %dma_wait3A_483] : memref<1000000x64xf32, #tpu.memory_space<hbm>> -> memref<1000000x64xf32, #tpu.memory_space<hbm>>
      tpu.wait_indirect_dma semaphore(%arg20 : memref<!tpu.dma_semaphore, #tpu.memory_space<semaphore_mem>>) src(%dma_wait3A_484 : memref<1000000x64xf32, #tpu.memory_space<hbm>>) dst(%dma_wait3A_478 : memref<128x64xf32, #tpu.memory_space<vmem>>)
      %dma_wait3A_485 = arith.constant 128 : i32
      %dma_wait3A_486 = arith.constant 0 : i32
      %dma_wait3A_487 = tpu.memref_slice %arg12[%dma_wait3A_485, %dma_wait3A_486] : memref<200x64xf32, #tpu.memory_space<vmem>> -> memref<72x64xf32, #tpu.memory_space<vmem>>
      %dma_wait3A_488 = arith.constant 128 : i32
      %dma_wait3A_489 = tpu.memref_slice %arg5[%add3A_475, %dma_wait3A_488] : memref<128x200xi32, #tpu.memory_space<vmem>> -> memref<1x72xi32, #tpu.memory_space<vmem>>
      %dma_wait3A_490 = tpu.memref_squeeze %dma_wait3A_489 : memref<1x72xi32, #tpu.memory_space<vmem>> -> memref<72xi32, #tpu.memory_space<vmem>>
      %dma_wait3A_491 = arith.constant 0 : i32
      %dma_wait3A_492 = arith.constant 0 : i32
      %dma_wait3A_493 = tpu.memref_slice %arg3[%dma_wait3A_491, %dma_wait3A_492] : memref<1000000x64xf32, #tpu.memory_space<hbm>> -> memref<1000000x64xf32, #tpu.memory_space<hbm>>
      tpu.wait_indirect_dma semaphore(%arg20 : memref<!tpu.dma_semaphore, #tpu.memory_space<semaphore_mem>>) src(%dma_wait3A_493 : memref<1000000x64xf32, #tpu.memory_space<hbm>>) dst(%dma_wait3A_487 : memref<72x64xf32, #tpu.memory_space<vmem>>)
      %add3A_494 = arith.addi %mul3A_2, %add3A_475 : i32
      %dma_start3A_495 = arith.constant 0 : i32
      %dma_start3A_496 = arith.constant 0 : i32
      %dma_start3A_497 = tpu.memref_slice %arg4[%add3A_494, %dma_start3A_495, %dma_start3A_496] : memref<4096x200x128xf32, #tpu.memory_space<hbm>> -> memref<1x200x64xf32, #tpu.memory_space<hbm>>
      %dma_start3A_498 = tpu.memref_squeeze %dma_start3A_497 : memref<1x200x64xf32, #tpu.memory_space<hbm>> -> memref<200x64xf32, #tpu.memory_space<hbm>>
      %dma_start3A_499 = arith.constant 0 : i32
      %dma_start3A_500 = arith.constant 0 : i32
      %dma_start3A_501 = tpu.memref_slice %arg4[%add3A_494, %dma_start3A_499, %dma_start3A_500] : memref<4096x200x128xf32, #tpu.memory_space<hbm>> -> memref<1x200x64xf32, #tpu.memory_space<hbm>>
      %dma_start3A_502 = tpu.memref_squeeze %dma_start3A_501 : memref<1x200x64xf32, #tpu.memory_space<hbm>> -> memref<200x64xf32, #tpu.memory_space<hbm>>
      tpu.enqueue_dma source(%arg12 : memref<200x64xf32, #tpu.memory_space<vmem>>) target(%dma_start3A_502 : memref<200x64xf32, #tpu.memory_space<hbm>>) target_semaphore(%arg28 : memref<!tpu.dma_semaphore, #tpu.memory_space<semaphore_mem>>)
      %mul3A_503 = arith.constant 8 : i32
      %mul3A_504 = arith.muli %mul3A_503, %scan3A_72 : i32
      %add3A_505 = arith.constant 7 : i32
      %add3A_506 = arith.addi %mul3A_504, %add3A_505 : i32
      %dma_wait3A_507 = arith.constant 0 : i32
      %dma_wait3A_508 = arith.constant 0 : i32
      %dma_wait3A_509 = tpu.memref_slice %arg13[%dma_wait3A_507, %dma_wait3A_508] : memref<200x64xf32, #tpu.memory_space<vmem>> -> memref<128x64xf32, #tpu.memory_space<vmem>>
      %dma_wait3A_510 = arith.constant 0 : i32
      %dma_wait3A_511 = tpu.memref_slice %arg5[%add3A_506, %dma_wait3A_510] : memref<128x200xi32, #tpu.memory_space<vmem>> -> memref<1x128xi32, #tpu.memory_space<vmem>>
      %dma_wait3A_512 = tpu.memref_squeeze %dma_wait3A_511 : memref<1x128xi32, #tpu.memory_space<vmem>> -> memref<128xi32, #tpu.memory_space<vmem>>
      %dma_wait3A_513 = arith.constant 0 : i32
      %dma_wait3A_514 = arith.constant 0 : i32
      %dma_wait3A_515 = tpu.memref_slice %arg3[%dma_wait3A_513, %dma_wait3A_514] : memref<1000000x64xf32, #tpu.memory_space<hbm>> -> memref<1000000x64xf32, #tpu.memory_space<hbm>>
      tpu.wait_indirect_dma semaphore(%arg21 : memref<!tpu.dma_semaphore, #tpu.memory_space<semaphore_mem>>) src(%dma_wait3A_515 : memref<1000000x64xf32, #tpu.memory_space<hbm>>) dst(%dma_wait3A_509 : memref<128x64xf32, #tpu.memory_space<vmem>>)
      %dma_wait3A_516 = arith.constant 128 : i32
      %dma_wait3A_517 = arith.constant 0 : i32
      %dma_wait3A_518 = tpu.memref_slice %arg13[%dma_wait3A_516, %dma_wait3A_517] : memref<200x64xf32, #tpu.memory_space<vmem>> -> memref<72x64xf32, #tpu.memory_space<vmem>>
      %dma_wait3A_519 = arith.constant 128 : i32
      %dma_wait3A_520 = tpu.memref_slice %arg5[%add3A_506, %dma_wait3A_519] : memref<128x200xi32, #tpu.memory_space<vmem>> -> memref<1x72xi32, #tpu.memory_space<vmem>>
      %dma_wait3A_521 = tpu.memref_squeeze %dma_wait3A_520 : memref<1x72xi32, #tpu.memory_space<vmem>> -> memref<72xi32, #tpu.memory_space<vmem>>
      %dma_wait3A_522 = arith.constant 0 : i32
      %dma_wait3A_523 = arith.constant 0 : i32
      %dma_wait3A_524 = tpu.memref_slice %arg3[%dma_wait3A_522, %dma_wait3A_523] : memref<1000000x64xf32, #tpu.memory_space<hbm>> -> memref<1000000x64xf32, #tpu.memory_space<hbm>>
      tpu.wait_indirect_dma semaphore(%arg21 : memref<!tpu.dma_semaphore, #tpu.memory_space<semaphore_mem>>) src(%dma_wait3A_524 : memref<1000000x64xf32, #tpu.memory_space<hbm>>) dst(%dma_wait3A_518 : memref<72x64xf32, #tpu.memory_space<vmem>>)
      %add3A_525 = arith.addi %mul3A_2, %add3A_506 : i32
      %dma_start3A_526 = arith.constant 0 : i32
      %dma_start3A_527 = arith.constant 0 : i32
      %dma_start3A_528 = tpu.memref_slice %arg4[%add3A_525, %dma_start3A_526, %dma_start3A_527] : memref<4096x200x128xf32, #tpu.memory_space<hbm>> -> memref<1x200x64xf32, #tpu.memory_space<hbm>>
      %dma_start3A_529 = tpu.memref_squeeze %dma_start3A_528 : memref<1x200x64xf32, #tpu.memory_space<hbm>> -> memref<200x64xf32, #tpu.memory_space<hbm>>
      %dma_start3A_530 = arith.constant 0 : i32
      %dma_start3A_531 = arith.constant 0 : i32
      %dma_start3A_532 = tpu.memref_slice %arg4[%add3A_525, %dma_start3A_530, %dma_start3A_531] : memref<4096x200x128xf32, #tpu.memory_space<hbm>> -> memref<1x200x64xf32, #tpu.memory_space<hbm>>
      %dma_start3A_533 = tpu.memref_squeeze %dma_start3A_532 : memref<1x200x64xf32, #tpu.memory_space<hbm>> -> memref<200x64xf32, #tpu.memory_space<hbm>>
      tpu.enqueue_dma source(%arg13 : memref<200x64xf32, #tpu.memory_space<vmem>>) target(%dma_start3A_533 : memref<200x64xf32, #tpu.memory_space<hbm>>) target_semaphore(%arg29 : memref<!tpu.dma_semaphore, #tpu.memory_space<semaphore_mem>>)
      %scan3A_534 = arith.constant 0 : i32
      scf.yield %scan3A_534 : i32
    }
    %scan3A_8 = arith.constant 16 : i32
    %dma_wait3A = arith.constant 0 : i32
    %dma_wait3A_9 = arith.constant 0 : i32
    %dma_wait3A_10 = tpu.memref_slice %arg4[%mul3A_2, %dma_wait3A, %dma_wait3A_9] : memref<4096x200x128xf32, #tpu.memory_space<hbm>> -> memref<1x200x64xf32, #tpu.memory_space<hbm>>
    %dma_wait3A_11 = tpu.memref_squeeze %dma_wait3A_10 : memref<1x200x64xf32, #tpu.memory_space<hbm>> -> memref<200x64xf32, #tpu.memory_space<hbm>>
    %dma_wait3A_12 = arith.constant 0 : i32
    %dma_wait3A_13 = arith.constant 0 : i32
    %dma_wait3A_14 = tpu.memref_slice %arg4[%mul3A_2, %dma_wait3A_12, %dma_wait3A_13] : memref<4096x200x128xf32, #tpu.memory_space<hbm>> -> memref<1x200x64xf32, #tpu.memory_space<hbm>>
    %dma_wait3A_15 = tpu.memref_squeeze %dma_wait3A_14 : memref<1x200x64xf32, #tpu.memory_space<hbm>> -> memref<200x64xf32, #tpu.memory_space<hbm>>
    tpu.wait_dma2 semaphore(%arg22 : memref<!tpu.dma_semaphore, #tpu.memory_space<semaphore_mem>>) src(%arg6 : memref<200x64xf32, #tpu.memory_space<vmem>>) dst(%dma_wait3A_15 : memref<200x64xf32, #tpu.memory_space<hbm>>)
    %dma_wait3A_16 = arith.constant 0 : i32
    %dma_wait3A_17 = arith.constant 0 : i32
    %dma_wait3A_18 = tpu.memref_slice %arg4[%mul3A_2, %dma_wait3A_16, %dma_wait3A_17] : memref<4096x200x128xf32, #tpu.memory_space<hbm>> -> memref<1x200x64xf32, #tpu.memory_space<hbm>>
    %dma_wait3A_19 = tpu.memref_squeeze %dma_wait3A_18 : memref<1x200x64xf32, #tpu.memory_space<hbm>> -> memref<200x64xf32, #tpu.memory_space<hbm>>
    %dma_wait3A_20 = arith.constant 0 : i32
    %dma_wait3A_21 = arith.constant 0 : i32
    %dma_wait3A_22 = tpu.memref_slice %arg4[%mul3A_2, %dma_wait3A_20, %dma_wait3A_21] : memref<4096x200x128xf32, #tpu.memory_space<hbm>> -> memref<1x200x64xf32, #tpu.memory_space<hbm>>
    %dma_wait3A_23 = tpu.memref_squeeze %dma_wait3A_22 : memref<1x200x64xf32, #tpu.memory_space<hbm>> -> memref<200x64xf32, #tpu.memory_space<hbm>>
    tpu.wait_dma2 semaphore(%arg23 : memref<!tpu.dma_semaphore, #tpu.memory_space<semaphore_mem>>) src(%arg7 : memref<200x64xf32, #tpu.memory_space<vmem>>) dst(%dma_wait3A_23 : memref<200x64xf32, #tpu.memory_space<hbm>>)
    %dma_wait3A_24 = arith.constant 0 : i32
    %dma_wait3A_25 = arith.constant 0 : i32
    %dma_wait3A_26 = tpu.memref_slice %arg4[%mul3A_2, %dma_wait3A_24, %dma_wait3A_25] : memref<4096x200x128xf32, #tpu.memory_space<hbm>> -> memref<1x200x64xf32, #tpu.memory_space<hbm>>
    %dma_wait3A_27 = tpu.memref_squeeze %dma_wait3A_26 : memref<1x200x64xf32, #tpu.memory_space<hbm>> -> memref<200x64xf32, #tpu.memory_space<hbm>>
    %dma_wait3A_28 = arith.constant 0 : i32
    %dma_wait3A_29 = arith.constant 0 : i32
    %dma_wait3A_30 = tpu.memref_slice %arg4[%mul3A_2, %dma_wait3A_28, %dma_wait3A_29] : memref<4096x200x128xf32, #tpu.memory_space<hbm>> -> memref<1x200x64xf32, #tpu.memory_space<hbm>>
    %dma_wait3A_31 = tpu.memref_squeeze %dma_wait3A_30 : memref<1x200x64xf32, #tpu.memory_space<hbm>> -> memref<200x64xf32, #tpu.memory_space<hbm>>
    tpu.wait_dma2 semaphore(%arg24 : memref<!tpu.dma_semaphore, #tpu.memory_space<semaphore_mem>>) src(%arg8 : memref<200x64xf32, #tpu.memory_space<vmem>>) dst(%dma_wait3A_31 : memref<200x64xf32, #tpu.memory_space<hbm>>)
    %dma_wait3A_32 = arith.constant 0 : i32
    %dma_wait3A_33 = arith.constant 0 : i32
    %dma_wait3A_34 = tpu.memref_slice %arg4[%mul3A_2, %dma_wait3A_32, %dma_wait3A_33] : memref<4096x200x128xf32, #tpu.memory_space<hbm>> -> memref<1x200x64xf32, #tpu.memory_space<hbm>>
    %dma_wait3A_35 = tpu.memref_squeeze %dma_wait3A_34 : memref<1x200x64xf32, #tpu.memory_space<hbm>> -> memref<200x64xf32, #tpu.memory_space<hbm>>
    %dma_wait3A_36 = arith.constant 0 : i32
    %dma_wait3A_37 = arith.constant 0 : i32
    %dma_wait3A_38 = tpu.memref_slice %arg4[%mul3A_2, %dma_wait3A_36, %dma_wait3A_37] : memref<4096x200x128xf32, #tpu.memory_space<hbm>> -> memref<1x200x64xf32, #tpu.memory_space<hbm>>
    %dma_wait3A_39 = tpu.memref_squeeze %dma_wait3A_38 : memref<1x200x64xf32, #tpu.memory_space<hbm>> -> memref<200x64xf32, #tpu.memory_space<hbm>>
    tpu.wait_dma2 semaphore(%arg25 : memref<!tpu.dma_semaphore, #tpu.memory_space<semaphore_mem>>) src(%arg9 : memref<200x64xf32, #tpu.memory_space<vmem>>) dst(%dma_wait3A_39 : memref<200x64xf32, #tpu.memory_space<hbm>>)
    %dma_wait3A_40 = arith.constant 0 : i32
    %dma_wait3A_41 = arith.constant 0 : i32
    %dma_wait3A_42 = tpu.memref_slice %arg4[%mul3A_2, %dma_wait3A_40, %dma_wait3A_41] : memref<4096x200x128xf32, #tpu.memory_space<hbm>> -> memref<1x200x64xf32, #tpu.memory_space<hbm>>
    %dma_wait3A_43 = tpu.memref_squeeze %dma_wait3A_42 : memref<1x200x64xf32, #tpu.memory_space<hbm>> -> memref<200x64xf32, #tpu.memory_space<hbm>>
    %dma_wait3A_44 = arith.constant 0 : i32
    %dma_wait3A_45 = arith.constant 0 : i32
    %dma_wait3A_46 = tpu.memref_slice %arg4[%mul3A_2, %dma_wait3A_44, %dma_wait3A_45] : memref<4096x200x128xf32, #tpu.memory_space<hbm>> -> memref<1x200x64xf32, #tpu.memory_space<hbm>>
    %dma_wait3A_47 = tpu.memref_squeeze %dma_wait3A_46 : memref<1x200x64xf32, #tpu.memory_space<hbm>> -> memref<200x64xf32, #tpu.memory_space<hbm>>
    tpu.wait_dma2 semaphore(%arg26 : memref<!tpu.dma_semaphore, #tpu.memory_space<semaphore_mem>>) src(%arg10 : memref<200x64xf32, #tpu.memory_space<vmem>>) dst(%dma_wait3A_47 : memref<200x64xf32, #tpu.memory_space<hbm>>)
    %dma_wait3A_48 = arith.constant 0 : i32
    %dma_wait3A_49 = arith.constant 0 : i32
    %dma_wait3A_50 = tpu.memref_slice %arg4[%mul3A_2, %dma_wait3A_48, %dma_wait3A_49] : memref<4096x200x128xf32, #tpu.memory_space<hbm>> -> memref<1x200x64xf32, #tpu.memory_space<hbm>>
    %dma_wait3A_51 = tpu.memref_squeeze %dma_wait3A_50 : memref<1x200x64xf32, #tpu.memory_space<hbm>> -> memref<200x64xf32, #tpu.memory_space<hbm>>
    %dma_wait3A_52 = arith.constant 0 : i32
    %dma_wait3A_53 = arith.constant 0 : i32
    %dma_wait3A_54 = tpu.memref_slice %arg4[%mul3A_2, %dma_wait3A_52, %dma_wait3A_53] : memref<4096x200x128xf32, #tpu.memory_space<hbm>> -> memref<1x200x64xf32, #tpu.memory_space<hbm>>
    %dma_wait3A_55 = tpu.memref_squeeze %dma_wait3A_54 : memref<1x200x64xf32, #tpu.memory_space<hbm>> -> memref<200x64xf32, #tpu.memory_space<hbm>>
    tpu.wait_dma2 semaphore(%arg27 : memref<!tpu.dma_semaphore, #tpu.memory_space<semaphore_mem>>) src(%arg11 : memref<200x64xf32, #tpu.memory_space<vmem>>) dst(%dma_wait3A_55 : memref<200x64xf32, #tpu.memory_space<hbm>>)
    %dma_wait3A_56 = arith.constant 0 : i32
    %dma_wait3A_57 = arith.constant 0 : i32
    %dma_wait3A_58 = tpu.memref_slice %arg4[%mul3A_2, %dma_wait3A_56, %dma_wait3A_57] : memref<4096x200x128xf32, #tpu.memory_space<hbm>> -> memref<1x200x64xf32, #tpu.memory_space<hbm>>
    %dma_wait3A_59 = tpu.memref_squeeze %dma_wait3A_58 : memref<1x200x64xf32, #tpu.memory_space<hbm>> -> memref<200x64xf32, #tpu.memory_space<hbm>>
    %dma_wait3A_60 = arith.constant 0 : i32
    %dma_wait3A_61 = arith.constant 0 : i32
    %dma_wait3A_62 = tpu.memref_slice %arg4[%mul3A_2, %dma_wait3A_60, %dma_wait3A_61] : memref<4096x200x128xf32, #tpu.memory_space<hbm>> -> memref<1x200x64xf32, #tpu.memory_space<hbm>>
    %dma_wait3A_63 = tpu.memref_squeeze %dma_wait3A_62 : memref<1x200x64xf32, #tpu.memory_space<hbm>> -> memref<200x64xf32, #tpu.memory_space<hbm>>
    tpu.wait_dma2 semaphore(%arg28 : memref<!tpu.dma_semaphore, #tpu.memory_space<semaphore_mem>>) src(%arg12 : memref<200x64xf32, #tpu.memory_space<vmem>>) dst(%dma_wait3A_63 : memref<200x64xf32, #tpu.memory_space<hbm>>)
    %dma_wait3A_64 = arith.constant 0 : i32
    %dma_wait3A_65 = arith.constant 0 : i32
    %dma_wait3A_66 = tpu.memref_slice %arg4[%mul3A_2, %dma_wait3A_64, %dma_wait3A_65] : memref<4096x200x128xf32, #tpu.memory_space<hbm>> -> memref<1x200x64xf32, #tpu.memory_space<hbm>>
    %dma_wait3A_67 = tpu.memref_squeeze %dma_wait3A_66 : memref<1x200x64xf32, #tpu.memory_space<hbm>> -> memref<200x64xf32, #tpu.memory_space<hbm>>
    %dma_wait3A_68 = arith.constant 0 : i32
    %dma_wait3A_69 = arith.constant 0 : i32
    %dma_wait3A_70 = tpu.memref_slice %arg4[%mul3A_2, %dma_wait3A_68, %dma_wait3A_69] : memref<4096x200x128xf32, #tpu.memory_space<hbm>> -> memref<1x200x64xf32, #tpu.memory_space<hbm>>
    %dma_wait3A_71 = tpu.memref_squeeze %dma_wait3A_70 : memref<1x200x64xf32, #tpu.memory_space<hbm>> -> memref<200x64xf32, #tpu.memory_space<hbm>>
    tpu.wait_dma2 semaphore(%arg29 : memref<!tpu.dma_semaphore, #tpu.memory_space<semaphore_mem>>) src(%arg13 : memref<200x64xf32, #tpu.memory_space<vmem>>) dst(%dma_wait3A_71 : memref<200x64xf32, #tpu.memory_space<hbm>>)
    return
  }
}

</mosaic_0001>

<sc_bundles>
// kernel: kernel.3.cloned.1.call-start
scs
__scs_entry_jumppad:
0x0: {  	(pc) =	sbr.rel $0x88, $3  }
0x1: {  	(tag) =	ssettag $0x0;
	lr =	simm.s32 $0x1  }
0x2: {  	[smem:$0x3F9F] =	sst lr;
	_ =	strace $0xD0000000  }
0x3: {  	_ = 	snop  }
0x4: {  	_ = 	snop  }
0x5: {  	_ = 	snop  }
0x6: {  	_ = 	snop  }
0x7: {  	_ = 	snop  }
__scs_overlays_trampoline_lowered:
0x8: {  	[smem:$0x3FAE] =	sst s0  }
0x9: {  	[smem:$0x3FAF] =	sst s1  }
0xa: {  	[smem:$0x3FB0] =	sst s2  }
0xb: {  	[smem:$0x3FB1] =	sst s3  }
0xc: {  	[smem:$0x3FB2] =	sst s4  }
0xd: {  	[smem:$0x3FB3] =	sst s5  }
0xe: {  	[smem:$0x3FB4] =	sst s6  }
0xf: {  	[smem:$0x3FB5] =	sst s7  }
0x10: {  	[smem:$0x3FB6] =	sst s8  }
0x11: {  	[smem:$0x3FB7] =	sst s9;
	s0 =	simm.s32 @!p0 $0x0  }
0x12: {  	s1 =	sld [smem:$0x3F9D];
	s0 =	simm.s32 @p0 $0x1  }
0x13: {  	[smem:$0x3FB8] =	sst s0;
	s0 =	simm.s32 @!p1 $0x0  }
0x14: {  	s2 =	sld [smem:$0x3F9C];
	s0 =	simm.s32 @p1 $0x1  }
0x15: {  	[smem:$0x3FB9] =	sst s0;
	s0 =	simm.s32 @!p2 $0x0  }
0x16: {  	s3 =	sld [smem:$0x3FDB];
	s0 =	simm.s32 @p2 $0x1  }
0x17: {  	s4 =	simm.s32 $0x1BF5;
	[smem:$0x3FBB] =	sst s0  }
0x18: {  	s0 =	sld [smem:$0x3F9E];
	_ =	swait.ge [sflag:s4], $0x0  }
0x19: {  	s7 =	sld [smem:$0x3F9F]  }
0x1a: {  	s8 =	sadd.s32 $0xFFFFE003, lr  }
0x1b: {  	s9 =	sadd.s32 $0xFFFFFEF7, lr;
	s5 =	simm.s32 $0xFFFFFFFF;
	p2 =	slt.u32 s8, $0xFFFFF086  }
0x1c: {  	p1 =	slt.u32 s9, $0xF7A;
	s5 =	simm.s32 @!p2 $0x0  }
0x1d: {  	s5 =	simm.s32 @p1 $0x1;
	p0 =	seq.s32 s7, s2  }
0x1e: {  	s7 =	smul.u32 @!p0 $0xF7A, s2;
	p2 =	seq.s32 @!p0 s5, $0x0  }
0x1f: {  	s9 =	smul.u32 $0xF7A, s1;
	s8 =	simm.s32 @!p0 $0x1BF5;
	p2 =	por !p2, p0  }
0x20: {  	[sflag:s8] =	ssyncset.s32 @!p0 $0xFFFFF086;
	s6 =	sadd.s32 @!p0 s3, s7;
	s7 =	simm.s32 @!p0 $0x108  }
0x21: {  	s3 =	sadd.s32 s3, s9;
	s6 =	sadd.s32 @!p0 $0x88, s6;
	s7 =	simm.s32 @p2 $0x1082  }
0x22: {  	[simem:s7], [sflag:s8] =	dma.local @!p0 [hbm:s6], $0xF7A  }
0x23: {  	s9 =	sor.u32 $0xD0000000, s2;
	s6 =	simm.s32 $0x108;
	_ =	swait.ge @!p0 [sflag:s8], $0x0  }
0x24: {  	s3 =	sadd.s32 $0x88, s3;
	s6 =	simm.s32 @!p1 $0x1082;
	[sflag:s4] =	ssyncset.s32 $0xFFFFF086  }
0x25: {  	[simem:s6], [sflag:s4] =	dma.local [hbm:s3], $0xF7A  }
0x26: {  	[smem:$0x3F9F] =	sst s1;
	(tag) =	ssettag s2;
	_ =	strace s9  }
0x27: {  	s1 =	sld [smem:$0x3FAF]  }
0x28: {  	s2 =	sld [smem:$0x3FB0]  }
0x29: {  	s4 =	sld [smem:$0x3FB2]  }
0x2a: {  	p0 =	seq.s32 s5, $0x0;
	s5 =	sld [smem:$0x3FB3]  }
0x2b: {  	s6 =	sld [smem:$0x3FB4]  }
0x2c: {  	s7 =	sld [smem:$0x3FB5]  }
0x2d: {  	s3 =	simm.s32 $0x108;
	s8 =	sld [smem:$0x3FB6]  }
0x2e: {  	s3 =	simm.s32 @!p0 $0x1082;
	s9 =	sld [smem:$0x3FB7]  }
0x2f: {  	lr =	sadd.s32 s0, s3;
	s0 =	sld [smem:$0x3FAE]  }
0x30: {  	s3 =	sld [smem:$0x3FB1]  }
0x31: {  	[smem:$0x3FBA] =	sst s10  }
0x32: {  	s10 =	sld [smem:$0x3FB8];
	_ =	sdelay $0x3  }
0x33: {  	p0 =	seq.s32 s10, $0x1;
	s10 =	sld [smem:$0x3FBA];
	_ =	sdelay $0x3  }
0x34: {  	[smem:$0x3FBA] =	sst s10  }
0x35: {  	s10 =	sld [smem:$0x3FB9];
	_ =	sdelay $0x3  }
0x36: {  	p1 =	seq.s32 s10, $0x1;
	s10 =	sld [smem:$0x3FBA];
	_ =	sdelay $0x3  }
0x37: {  	[smem:$0x3FBA] =	sst s10  }
0x38: {  	s10 =	sld [smem:$0x3FBB]  }
0x39: {  	_ = 	snop;
	(pc) =	sbr.ind lr, $3  }
0x3a: {  	_ = 	snop  }
0x3b: {  	_ = 	snop  }
0x3c: {  	p2 =	seq.s32 s10, $0x1;
	s10 =	sld [smem:$0x3FBA]  }
0x3d: {  	_ =	shalt  }
0x3e: {  	_ =	shalt  }
0x3f: {  	_ =	shalt  }
0x40: {  	_ =	shalt  }
0x41: {  	_ =	shalt  }
0x42: {  	_ =	shalt  }
0x43: {  	_ =	shalt  }
0x44: {  	_ =	shalt  }
0x45: {  	_ =	shalt  }
0x46: {  	_ =	shalt  }
0x47: {  	_ =	shalt  }
0x48: {  	_ =	shalt  }
0x49: {  	_ =	shalt  }
0x4a: {  	_ =	shalt  }
0x4b: {  	_ =	shalt  }
0x4c: {  	_ =	shalt  }
0x4d: {  	_ =	shalt  }
0x4e: {  	_ =	shalt  }
0x4f: {  	_ =	shalt  }
0x50: {  	_ =	shalt  }
0x51: {  	_ =	shalt  }
0x52: {  	_ =	shalt  }
0x53: {  	_ =	shalt  }
0x54: {  	_ =	shalt  }
0x55: {  	_ =	shalt  }
0x56: {  	_ =	shalt  }
0x57: {  	_ =	shalt  }
0x58: {  	_ =	shalt  }
0x59: {  	_ =	shalt  }
0x5a: {  	_ =	shalt  }
0x5b: {  	_ =	shalt  }
0x5c: {  	_ =	shalt  }
0x5d: {  	_ =	shalt  }
0x5e: {  	_ =	shalt  }
0x5f: {  	_ =	shalt  }
0x60: {  	_ =	shalt  }
0x61: {  	_ =	shalt  }
0x62: {  	_ =	shalt  }
0x63: {  	_ =	shalt  }
0x64: {  	_ =	shalt  }
0x65: {  	_ =	shalt  }
0x66: {  	_ =	shalt  }
0x67: {  	_ =	shalt  }
0x68: {  	_ =	shalt  }
0x69: {  	_ =	shalt  }
0x6a: {  	_ =	shalt  }
0x6b: {  	_ =	shalt  }
0x6c: {  	_ =	shalt  }
0x6d: {  	_ =	shalt  }
0x6e: {  	_ =	shalt  }
0x6f: {  	_ =	shalt  }
0x70: {  	_ =	shalt  }
0x71: {  	_ =	shalt  }
0x72: {  	_ =	shalt  }
0x73: {  	_ =	shalt  }
0x74: {  	_ =	shalt  }
0x75: {  	_ =	shalt  }
0x76: {  	_ =	shalt  }
0x77: {  	_ =	shalt  }
0x78: {  	_ =	shalt  }
0x79: {  	_ =	shalt  }
0x7a: {  	_ =	shalt  }
0x7b: {  	_ =	shalt  }
0x7c: {  	_ =	shalt  }
0x7d: {  	_ =	shalt  }
0x7e: {  	_ =	shalt  }
0x7f: {  	_ =	shalt  }
0x80: {  	_ =	shalt  }
0x81: {  	_ =	shalt  }
0x82: {  	_ =	shalt  }
0x83: {  	_ =	shalt  }
0x84: {  	_ =	shalt  }
0x85: {  	_ =	shalt  }
0x86: {  	_ =	shalt  }
0x87: {  	_ =	shalt  }
.Lfunc_end0:
.L_simem_size_0:
called_computation.1_lowered:
.L_overlay_start_0:
0x88: {  	s2 =	sld [smem:$0x3FD9]  }
0x89: {  	s3 =	sld [smem:$0x3FFE];
	_ =	sdelay $0x1  }
0x8a: {  	s1 =	srdreg.scid  }
0x8b: {  	s0 =	sand.u32 $0x1, s1  }
0x8c: {  	s17 =	sshll.u32 s0, $0xA;
	s2 =	sadd.s32 s3, s2  }
0x8d: {  	s2 =	sadd.s32 s2, s17  }
0x8e: {  	[smem:$0x3FC6] =	sst s2  }
0x8f: {  	_ = 	snop  }
0x90: {  	s2 =	sld [smem:$0x3FD0];
	(tm) =	ssettm $0x1  }
0x91: {  	s18 =	sld [smem:$0x3FFB];
	_ =	sdelay $0x3  }
0x92: {  	_ =	strace s18  }
0x93: {  	s3 =	sld [smem:$0x3FFC];
	_ =	sdelay $0x3  }
0x94: {  	_ =	strace s3  }
0x95: {  	s3 =	sld [smem:$0x3FFD];
	_ =	sdelay $0x3  }
0x96: {  	_ =	strace s3  }
0x97: {  	_ =	strace $0x8FFFFFFF  }
0x98: {  	s19 =	sld [smem:$0x3FDB];
	_ =	sdelay $0x1  }
0x99: {  	s4 =	simm.s32 $_scs_section_size  }
0x9a: {  	s5 =	simm.s32 $_size__tile_overlayer_lowered;
	s6 =	simm.s32 $_tile_overlayer_lowered  }
0x9b: {  	s22 =	simm.s32 $0x1BFF;
	s21 =	sshll.u32 s6, $0x1;
	s3 =	sadd.s32 s4, s19  }
0x9c: {  	s7 =	simm.s32 $0x0;
	s20 =	sshll.u32 s5, $0x1;
	s5 =	sadd.s32 s21, s3  }
0x9d: {  	[timem:s7], [sflag:s22] =	dma.local [hbm:s5], s20  }
0x9e: {  	_ =	swait.ge [sflag:s22], s20  }
0x9f: {  	s4 =	ssub.s32 $0x0, s20;
	[sflag:s22] =	ssyncset.done $0x0  }
0xa0: {  	[sflag:s22] =	ssyncadd.s32 s4;
	_ =	sdelay $0x1  }
0xa1: {  	s23 =	simm.s32 $0x1B8B  }
0xa2: {  	_ =	swait.ge [sflag:s23], $0x1  }
0xa3: {  	[sflag:s23] =	ssyncset.done $0x0  }
0xa4: {  	s25 =	simm.s32 $0x1B8E;
	s24 =	sld [smem:$0x3FFE];
	[sflag:s23] =	ssyncadd.s32 $0xFFFFFFFF  }
0xa5: {  	s26 =	simm.s32 $execute0_lowered;
	[smem:$0x3FD2] =	sst s25  }
0xa6: {  	s5 =	sshll.u32 s26, $0x1;
	_ =	strace $0x80000046;
	[dreg:$0x1] =	wrdreg $0xFFFFFFFF  }
0xa7: {  	s28 =	simm.s32 $_size_execute0_lowered;
	s3 =	sadd.s32 s3, s5;
	[dreg:$0x0] =	wrdreg $0x0  }
0xa8: {  	s5 =	sshll.u32 s28, $0x1;
	[dreg:$0x2] =	wrdreg s3  }
0xa9: {  	[dreg:$0x3] =	wrdreg s5  }
0xaa: {  	[dreg:$0x4] =	wrdreg $0xC0  }
0xab: {  	_ =	task [dreg:s7], $0x5FFFF  }
0xac: {  	[dreg:$0x1] =	wrdreg $0xFFFFFFFF  }
0xad: {  	[dreg:$0x0] =	wrdreg $0x60  }
0xae: {  	[dreg:$0x2] =	wrdreg s2  }
0xaf: {  	[dreg:$0x3] =	wrdreg s24  }
0xb0: {  	[dreg:$0x4] =	wrdreg $0x9  }
0xb1: {  	_ =	task.clear_ibuf [dreg:s7], $0x5FFFF;
	_ =	strace $0x90000046  }
0xb2: {  	s29 =	simm.s32 $0x9;
	_ =	strace $0x80000048  }
0xb3: {  	_ =	swait.ge [sflag:s29], $0x1  }
0xb4: {  	[sflag:s29] =	ssyncadd.s32 $0xFFFFFFFF  }
0xb5: {  	_ =	strace $0x90000048  }
0xb6: {  	_ =	sfence  }
0xb7: {  	s30 =	sld [smem:$0x0];
	_ =	sdelay $0x2  }
0xb8: {  	s31 =	sshll.u32 s1, $0xD;
	s1 =	sshrl.u32 s1, $0x2  }
0xb9: {  	s3 =	sand.u32 $0x4000, s31;
	s1 =	sadd.s32 s1, s30  }
0xba: {  	s0 =	sor.u32 s3, s0;
	s1 =	sshll.u32 s1, $0x11  }
0xbb: {  	s0 =	sor.u32 s1, s0  }
0xbc: {  	s0 =	sadd.s32 $0x8F2B, s0  }
0xbd: {  	[sflag:s0] =	ssyncadd.remote.s32 $0x1  }
0xbe: {  	_ =	sfence.sel $0xFFFF  }
0xbf: {  	[dreg:$0x0] =	wrdreg $0xFFFFFFFF;
	(pc) =	sbr.abs _section_cstart, $3  }
0xc0: {  	[dreg:$0x1] =	wrdreg $0xFFFFFFFF  }
0xc1: {  	_ =	task.clear_ibuf [dreg:s7], $0x2FFFF;
	_ =	strace $0x9FFFFFFF  }
0xc2: {  	(tm) =	ssettm $0x7FFFFFFF  }
0xc3: {  	_ =	shalt  }
tec
execute0_lowered:
.L_overlay_start_1:
0x0: {  	(tag) =	ssettag $0x1  }
0x1: {  	s0 =	rddreg [dreg:$0x0]  }
0x2: {  	s1 =	rddreg [dreg:$0x1];
	s2 =	srdreg.scid  }
0x3: {  	s5 =	stileid.u32;
	s6 =	simm.s32 $0x0;
	s10 =	simm.s32 $0x80  }
0x4: {  	s12 =	simm.s32 $0x48;
	s13 =	simm.s32 $0x9600;
	s14 =	simm.s32 $0xC800  }
0x5: {  	s17 =	simm.s32 $0xFA00;
	s19 =	simm.s32 $0x12C00;
	s21 =	simm.s32 $0x15E00  }
0x6: {  	s9 =	simm.s32 $0x19000;
	s20 =	simm.s32 $0x40;
	s29 =	simm.s32 $0x5  }
0x7: {  	s31 =	simm.s32 $0x6;
	s22 =	simm.s32 $0x1C200;
	s24 =	simm.s32 $0x1E200  }
0x8: {  	s2 =	sand.u32 $0x1, s2;
	s3 =	sshll.u32 s5, $0x8;
	[smem:$0x7FF] =	sst s6  }
0x9: {  	s8 =	smul.u32 $0xC8000, s5;
	s5 =	sadd.s32 $0xA00, s1;
	s4 =	sshll.u32 s2, $0x7  }
0xa: {  	s6 =	simm.s32 $0x8;
	s7 =	ssub.s32 $0x2, s2;
	s3 =	sor.u32 s4, s3  }
0xb: {  	_ =	strace $0x80000047;
	s28 =	sshrl.u32 s7, $0x1;
	s26 =	smul.u32 $0x19, s3  }
.Ltmp0:
0xc: {  	s4 =	sadd.s32 $0xF42E00, s1;
	s1 =	ssub.s32 s7, s28;
	(pc) =	sbr.rel .LBB2_1-.Ltmp0, $4  }
0xd: {  	s2 =	smul.u32 $0x64000, s2;
	s30 =	sadd.s32 s8, s5;
	s1 =	smax.u32 s1, $0x1  }
0xe: {  	s8 =	simm.s32 $0x6400;
	s0 =	sadd.s32 s0, s26;
	[dreg:$0x4] =	wrdreg s1  }
0xf: {  	s7 =	simm.s32 $0x0;
	[dreg:$0x3] =	wrdreg s0;
	s0 =	sadd.s32 s2, s30  }
0x10: {  	s26 =	simm.s32 $0x4;
	s1 =	simm.s32 $0x7;
	[dreg:$0x5] =	wrdreg s0  }
.LBB2_6:
0x11: {  	s0 =	simm.s32 $0x9  }
0x12: {  	_ =	swait.ge [sflag:s0], $0x3200  }
0x13: {  	[sflag:s0] =	ssyncset.done $0x0  }
0x14: {  	s15 =	simm.s32 $0xA;
	[sflag:s0] =	ssyncadd.s32 $0xFFFFCE00  }
0x15: {  	_ =	swait.ge [sflag:s15], $0x3200  }
0x16: {  	[sflag:s15] =	ssyncset.done $0x0  }
0x17: {  	s16 =	simm.s32 $0xB;
	[sflag:s15] =	ssyncadd.s32 $0xFFFFCE00  }
0x18: {  	_ =	swait.ge [sflag:s16], $0x3200  }
0x19: {  	[sflag:s16] =	ssyncset.done $0x0  }
0x1a: {  	s18 =	simm.s32 $0xC;
	[sflag:s16] =	ssyncadd.s32 $0xFFFFCE00  }
0x1b: {  	_ =	swait.ge [sflag:s18], $0x3200  }
0x1c: {  	[sflag:s18] =	ssyncset.done $0x0  }
0x1d: {  	s23 =	simm.s32 $0xD;
	[sflag:s18] =	ssyncadd.s32 $0xFFFFCE00  }
0x1e: {  	_ =	swait.ge [sflag:s23], $0x3200  }
0x1f: {  	[sflag:s23] =	ssyncset.done $0x0  }
0x20: {  	s25 =	simm.s32 $0xE;
	[sflag:s23] =	ssyncadd.s32 $0xFFFFCE00  }
0x21: {  	_ =	swait.ge [sflag:s25], $0x3200  }
0x22: {  	[sflag:s25] =	ssyncset.done $0x0  }
0x23: {  	s28 =	simm.s32 $0xF;
	[sflag:s25] =	ssyncadd.s32 $0xFFFFCE00  }
0x24: {  	_ =	swait.ge [sflag:s28], $0x3200  }
0x25: {  	[sflag:s28] =	ssyncset.done $0x0  }
0x26: {  	s2 =	simm.s32 $0x10;
	[sflag:s28] =	ssyncadd.s32 $0xFFFFCE00  }
0x27: {  	_ =	swait.ge [sflag:s2], $0x3200  }
0x28: {  	s7 =	rddreg [dreg:$0x6]  }
0x29: {  	s30 =	rddreg [dreg:$0x4];
	s7 =	sadd.s32 $0x1, s7  }
0x2a: {  	p0 =	sne.s32 s7, s30  }
.Ltmp1:
0x2b: {  	_ = 	snop;
	(pc) =	sbr.rel @!p0 .LBB2_7-.Ltmp1, $3  }
0x2c: {  	_ =	sdelay $0x1  }
0x2d: {  	[sflag:s2] =	ssyncset.done $0x0  }
0x2e: {  	[sflag:s2] =	ssyncadd.s32 $0xFFFFCE00  }
.LBB2_1:
0x2f: {  	[dreg:$0x6] =	wrdreg s7;
	s0 =	simm.s32 $0x0  }
.Ltmp2:
0x30: {  	s28 =	rddreg [dreg:$0x3];
	s30 =	simm.s32 $0x11;
	(pc) =	sbr.rel .LBB2_2-.Ltmp2, $4  }
0x31: {  	[tilespmem:s0], [sflag:$0x11] =	stream.linear.gather [hbm4b:s28+s0], $0x6400, $0x38;
	[tilespmem:$0x1F400] =	vst v63  }
0x32: {  	_ =	swait.ge [sflag:s30], $0x6400  }
0x33: {  	s16 =	simm.s32 $0x7;
	[sflag:s30] =	ssyncset.done $0x0  }
0x34: {  	s15 =	simm.s32 $0x0;
	s11 =	rddreg [dreg:$0x5];
	[sflag:s30] =	ssyncadd.s32 $0xFFFF9C00  }
.LBB2_4:
0x35: {  	s2 =	simm.s32 $0x9  }
0x36: {  	_ =	swait.ge [sflag:s2], $0x3200  }
0x37: {  	[sflag:s2] =	ssyncset.done $0x0  }
0x38: {  	[sflag:s2] =	ssyncadd.s32 $0xFFFFCE00  }
0x39: {  	[tilespmem:s8], [sflag:$0x1] =	stream.indirect.gather [hbm4b:s4+s10], $0x40, s0, s10, $0xb8;
	[tilespmem:$0x1F400] =	vst v63  }
0x3a: {  	s23 =	simm.s32 $0x8400;
	s25 =	simm.s32 $0xA  }
0x3b: {  	[tilespmem:s23], [sflag:$0x1] =	stream.indirect.gather [hbm4b:s4+s12], $0x40, s7, s12, $0xb8;
	[tilespmem:$0x1F400] =	vst v63  }
0x3c: {  	_ =	swait.ge [sflag:s25], $0x3200  }
0x3d: {  	[sflag:s25] =	ssyncset.done $0x0  }
0x3e: {  	s2 =	sadd.s32 $0xC8, s0;
	[sflag:s25] =	ssyncadd.s32 $0xFFFFCE00  }
0x3f: {  	[tilespmem:s13], [sflag:$0x2] =	stream.indirect.gather [hbm4b:s4+s10], $0x40, s2, s10, $0xb8;
	[tilespmem:$0x1F400] =	vst v63  }
0x40: {  	s18 =	simm.s32 $0xB;
	s8 =	sadd.s32 $0x148, s0;
	s13 =	simm.s32 $0xB600  }
0x41: {  	[tilespmem:s13], [sflag:$0x2] =	stream.indirect.gather [hbm4b:s4+s12], $0x40, s8, s12, $0xb8;
	[tilespmem:$0x1F400] =	vst v63  }
0x42: {  	_ =	swait.ge [sflag:s18], $0x3200  }
0x43: {  	[sflag:s18] =	ssyncset.done $0x0  }
0x44: {  	s23 =	sadd.s32 $0x190, s0;
	[sflag:s18] =	ssyncadd.s32 $0xFFFFCE00  }
0x45: {  	[tilespmem:s14], [sflag:$0x3] =	stream.indirect.gather [hbm4b:s4+s10], $0x40, s23, s10, $0xb8;
	[tilespmem:$0x1F400] =	vst v63  }
0x46: {  	s7 =	simm.s32 $0xC;
	s25 =	sadd.s32 $0x210, s0;
	s2 =	simm.s32 $0xE800  }
0x47: {  	[tilespmem:s2], [sflag:$0x3] =	stream.indirect.gather [hbm4b:s4+s12], $0x40, s25, s12, $0xb8;
	[tilespmem:$0x1F400] =	vst v63  }
0x48: {  	_ =	swait.ge [sflag:s7], $0x3200  }
0x49: {  	[sflag:s7] =	ssyncset.done $0x0  }
0x4a: {  	s8 =	sadd.s32 $0x258, s0;
	[sflag:s7] =	ssyncadd.s32 $0xFFFFCE00  }
0x4b: {  	[tilespmem:s17], [sflag:$0x4] =	stream.indirect.gather [hbm4b:s4+s10], $0x40, s8, s10, $0xb8;
	[tilespmem:$0x1F400] =	vst v63  }
0x4c: {  	s13 =	sadd.s32 $0x2D8, s0;
	s14 =	simm.s32 $0x11A00;
	s17 =	simm.s32 $0xD  }
0x4d: {  	[tilespmem:s14], [sflag:$0x4] =	stream.indirect.gather [hbm4b:s4+s12], $0x40, s13, s12, $0xb8;
	[tilespmem:$0x1F400] =	vst v63  }
0x4e: {  	_ =	swait.ge [sflag:s17], $0x3200  }
0x4f: {  	[sflag:s17] =	ssyncset.done $0x0  }
0x50: {  	s18 =	sadd.s32 $0x320, s0;
	[sflag:s17] =	ssyncadd.s32 $0xFFFFCE00  }
0x51: {  	[tilespmem:s19], [sflag:$0x5] =	stream.indirect.gather [hbm4b:s4+s10], $0x40, s18, s10, $0xb8;
	[tilespmem:$0x1F400] =	vst v63  }
0x52: {  	s23 =	simm.s32 $0x14C00;
	s25 =	simm.s32 $0xE;
	s19 =	sadd.s32 $0x3A0, s0  }
0x53: {  	[tilespmem:s23], [sflag:$0x5] =	stream.indirect.gather [hbm4b:s4+s12], $0x40, s19, s12, $0xb8;
	[tilespmem:$0x1F400] =	vst v63  }
0x54: {  	_ =	swait.ge [sflag:s25], $0x3200  }
0x55: {  	s28 =	sadd.s32 $0xFFFFFFFE, s16;
	s30 =	simm.s32 $0xFA00;
	[sflag:s25] =	ssyncset.done $0x0  }
0x56: {  	s2 =	sadd.s32 $0x3E8, s0;
	s7 =	sadd.s32 $0xFFFFFFFC, s16;
	[sflag:s25] =	ssyncadd.s32 $0xFFFFCE00  }
0x57: {  	[tilespmem:s21], [sflag:$0x6] =	stream.indirect.gather [hbm4b:s4+s10], $0x40, s2, s10, $0xb8;
	[tilespmem:$0x1F400] =	vst v63  }
0x58: {  	s8 =	sadd.s32 $0x468, s0;
	s13 =	simm.s32 $0x17E00;
	s14 =	simm.s32 $0xF  }
0x59: {  	[tilespmem:s13], [sflag:$0x6] =	stream.indirect.gather [hbm4b:s4+s12], $0x40, s8, s12, $0xb8;
	[tilespmem:$0x1F400] =	vst v63  }
0x5a: {  	s17 =	sadd.s32 $0x4B0, s0;
	s18 =	sadd.s32 $0x530, s0;
	_ =	swait.ge [sflag:s14], $0x3200  }
0x5b: {  	s0 =	sadd.s32 $0xFFFFFFFD, s16;
	s19 =	simm.s32 $0x1B000;
	[sflag:s14] =	ssyncset.done $0x0  }
0x5c: {  	s23 =	sadd.s32 $0xFFFFFFFF, s16;
	s25 =	simm.s32 $0xC800;
	[sflag:s14] =	ssyncadd.s32 $0xFFFFCE00  }
0x5d: {  	[tilespmem:s9], [sflag:$0x7] =	stream.indirect.gather [hbm4b:s4+s10], $0x40, s17, s10, $0xb8;
	[tilespmem:$0x1F400] =	vst v63  }
0x5e: {  	s21 =	simm.s32 $0x10;
	s2 =	simm.s32 $0x12C00;
	s8 =	sadd.s32 $0xFFFFFFFA, s16  }
0x5f: {  	[tilespmem:s19], [sflag:$0x7] =	stream.indirect.gather [hbm4b:s4+s12], $0x40, s18, s12, $0xb8;
	[tilespmem:$0x1F400] =	vst v63  }
0x60: {  	s14 =	sadd.s32 $0xFFFFFFFB, s16;
	s17 =	simm.s32 $0x6400;
	_ =	swait.ge [sflag:s21], $0x3200  }
0x61: {  	s9 =	simm.s32 $0x15E00;
	s19 =	smov.u32 s16;
	[sflag:s21] =	ssyncset.done $0x0  }
0x62: {  	s18 =	simm.s32 $0x19000;
	[sflag:s21] =	ssyncadd.s32 $0xFFFFCE00;
	s21 =	simm.s32 $0x9600  }
.LBB2_5:
0x63: {  	s13 =	smul.u32 $0x320, s19;
	_ =	sdelay $0x1  }
0x64: {  	s13 =	sshra.s32 s13, $0x2  }
0x65: {  	[tilespmem:s22], [sflag:$0x8] =	stream.indirect.gather [hbm4b:s4+s10], $0x40, s13, s10, $0xb8;
	[tilespmem:$0x1F400] =	vst v63  }
0x66: {  	s13 =	sadd.s32 $0x80, s13  }
0x67: {  	[tilespmem:s24], [sflag:$0x8] =	stream.indirect.gather [hbm4b:s4+s12], $0x40, s13, s12, $0xb8;
	[tilespmem:$0x1F400] =	vst v63  }
0x68: {  	s13 =	simm.s32 $0x1  }
0x69: {  	_ =	swait.ge [sflag:s13], $0x2000  }
0x6a: {  	[sflag:s13] =	ssyncset.done $0x0  }
0x6b: {  	[sflag:s13] =	ssyncadd.s32 $0xFFFFE000  }
0x6c: {  	_ =	swait.ge [sflag:s13], $0x1200  }
0x6d: {  	[sflag:s13] =	ssyncset.done $0x0  }
0x6e: {  	[sflag:s13] =	ssyncadd.s32 $0xFFFFEE00  }
0x6f: {  	[hbm4b:s11+s20] =	stream.strided.scatter [tilespmem:s17], [sflag:$0x9], $0x3200, s10, s20, $0x38;
	[tilespmem:$0x1F400] =	vst v63  }
0x70: {  	s17 =	simm.s32 $0x2  }
0x71: {  	_ =	swait.ge [sflag:s17], $0x2000  }
0x72: {  	[sflag:s17] =	ssyncset.done $0x0  }
0x73: {  	s8 =	sadd.s32 s3, s8;
	[sflag:s17] =	ssyncadd.s32 $0xFFFFE000  }
0x74: {  	s8 =	smul.u32 $0xC80, s8;
	_ =	swait.ge [sflag:s17], $0x1200  }
0x75: {  	[sflag:s17] =	ssyncset.done $0x0  }
0x76: {  	s8 =	sadd.s32 s5, s8;
	[sflag:s17] =	ssyncadd.s32 $0xFFFFEE00;
	s17 =	simm.s32 $0x3  }
0x77: {  	[hbm4b:s8+s20] =	stream.strided.scatter [tilespmem:s21], [sflag:$0xA], $0x3200, s10, s20, $0x38;
	[tilespmem:$0x1F400] =	vst v63  }
0x78: {  	_ =	swait.ge [sflag:s17], $0x2000  }
0x79: {  	[sflag:s17] =	ssyncset.done $0x0  }
0x7a: {  	s21 =	sadd.s32 s3, s14;
	[sflag:s17] =	ssyncadd.s32 $0xFFFFE000  }
0x7b: {  	s8 =	smul.u32 $0xC80, s21;
	_ =	swait.ge [sflag:s17], $0x1200  }
0x7c: {  	[sflag:s17] =	ssyncset.done $0x0  }
0x7d: {  	s8 =	sadd.s32 s5, s8;
	[sflag:s17] =	ssyncadd.s32 $0xFFFFEE00  }
0x7e: {  	[hbm4b:s8+s20] =	stream.strided.scatter [tilespmem:s25], [sflag:$0xB], $0x3200, s10, s20, $0x38;
	[tilespmem:$0x1F400] =	vst v63  }
0x7f: {  	_ =	swait.ge [sflag:s26], $0x2000  }
0x80: {  	[sflag:s26] =	ssyncset.done $0x0  }
0x81: {  	s7 =	sadd.s32 s3, s7;
	[sflag:s26] =	ssyncadd.s32 $0xFFFFE000  }
0x82: {  	s7 =	smul.u32 $0xC80, s7;
	_ =	swait.ge [sflag:s26], $0x1200  }
0x83: {  	[sflag:s26] =	ssyncset.done $0x0  }
0x84: {  	s7 =	sadd.s32 s5, s7;
	[sflag:s26] =	ssyncadd.s32 $0xFFFFEE00  }
0x85: {  	[hbm4b:s7+s20] =	stream.strided.scatter [tilespmem:s30], [sflag:$0xC], $0x3200, s10, s20, $0x38;
	[tilespmem:$0x1F400] =	vst v63  }
0x86: {  	_ =	swait.ge [sflag:s29], $0x2000  }
0x87: {  	[sflag:s29] =	ssyncset.done $0x0  }
0x88: {  	s0 =	sadd.s32 s3, s0;
	[sflag:s29] =	ssyncadd.s32 $0xFFFFE000  }
0x89: {  	s0 =	smul.u32 $0xC80, s0;
	_ =	swait.ge [sflag:s29], $0x1200  }
0x8a: {  	[sflag:s29] =	ssyncset.done $0x0  }
0x8b: {  	s0 =	sadd.s32 s5, s0;
	[sflag:s29] =	ssyncadd.s32 $0xFFFFEE00  }
0x8c: {  	[hbm4b:s0+s20] =	stream.strided.scatter [tilespmem:s2], [sflag:$0xD], $0x3200, s10, s20, $0x38;
	[tilespmem:$0x1F400] =	vst v63  }
0x8d: {  	_ =	swait.ge [sflag:s31], $0x2000  }
0x8e: {  	[sflag:s31] =	ssyncset.done $0x0  }
0x8f: {  	s25 =	sadd.s32 s3, s28;
	[sflag:s31] =	ssyncadd.s32 $0xFFFFE000  }
0x90: {  	s0 =	smul.u32 $0xC80, s25;
	_ =	swait.ge [sflag:s31], $0x1200  }
0x91: {  	[sflag:s31] =	ssyncset.done $0x0  }
0x92: {  	s0 =	sadd.s32 s5, s0;
	[sflag:s31] =	ssyncadd.s32 $0xFFFFEE00  }
0x93: {  	[hbm4b:s0+s20] =	stream.strided.scatter [tilespmem:s9], [sflag:$0xE], $0x3200, s10, s20, $0x38;
	[tilespmem:$0x1F400] =	vst v63  }
0x94: {  	_ =	swait.ge [sflag:s1], $0x2000  }
0x95: {  	[sflag:s1] =	ssyncset.done $0x0  }
0x96: {  	s28 =	sadd.s32 s3, s23;
	[sflag:s1] =	ssyncadd.s32 $0xFFFFE000  }
0x97: {  	s0 =	smul.u32 $0xC80, s28;
	_ =	swait.ge [sflag:s1], $0x1200  }
0x98: {  	s15 =	sadd.s32 $0x1900, s15;
	s16 =	sadd.s32 $0x8, s16;
	[sflag:s1] =	ssyncset.done $0x0  }
0x99: {  	p0 =	sne.s32 s15, $0x19000;
	s0 =	sadd.s32 s5, s0;
	[sflag:s1] =	ssyncadd.s32 $0xFFFFEE00  }
0x9a: {  	[hbm4b:s0+s20] =	stream.strided.scatter [tilespmem:s18], [sflag:$0xF], $0x3200, s10, s20, $0x38;
	[tilespmem:$0x1F400] =	vst v63  }
0x9b: {  	s13 =	simm.s32 $0x9600;
	s11 =	sadd.s32 $0x6400, s11;
	_ =	swait.ge [sflag:s6], $0x2000  }
0x9c: {  	s14 =	simm.s32 $0xC800;
	s21 =	simm.s32 $0x15E00;
	[sflag:s6] =	ssyncset.done $0x0  }
.Ltmp3:
0x9d: {  	s30 =	sadd.s32 s3, s19;
	[sflag:s6] =	ssyncadd.s32 $0xFFFFE000;
	(pc) =	sbr.rel @!p0 .LBB2_6-.Ltmp3, $4  }
0x9e: {  	s17 =	simm.s32 $0xFA00;
	s0 =	smul.u32 $0xC80, s30;
	_ =	swait.ge [sflag:s6], $0x1200  }
0x9f: {  	s8 =	simm.s32 $0x6400;
	s19 =	simm.s32 $0x12C00;
	[sflag:s6] =	ssyncset.done $0x0  }
0xa0: {  	s9 =	simm.s32 $0x19000;
	s0 =	sadd.s32 s5, s0;
	[sflag:s6] =	ssyncadd.s32 $0xFFFFEE00  }
0xa1: {  	[hbm4b:s0+s20] =	stream.strided.scatter [tilespmem:s22], [sflag:$0x10], $0x3200, s10, s20, $0x38;
	[tilespmem:$0x1F400] =	vst v63  }
.LBB2_2:
0xa2: {  	p0 =	sne.s32 s15, $0x0  }
.Ltmp4:
0xa3: {  	_ = 	snop;
	(pc) =	sbr.rel @p0 .LBB2_4-.Ltmp4, $3  }
0xa4: {  	_ =	sdelay $0x1  }
0xa5: {  	s0 =	sshra.s32 s15, $0x2  }
0xa6: {  	s7 =	sadd.s32 $0x80, s0  }
0xa7: {  	[tilespmem:s8], [sflag:$0x1] =	stream.indirect.gather [hbm4b:s4+s10], $0x40, s0, s10, $0xb8;
	[tilespmem:$0x1F400] =	vst v63  }
0xa8: {  	s2 =	simm.s32 $0x8400  }
0xa9: {  	[tilespmem:s2], [sflag:$0x1] =	stream.indirect.gather [hbm4b:s4+s12], $0x40, s7, s12, $0xb8;
	[tilespmem:$0x1F400] =	vst v63  }
0xaa: {  	s7 =	simm.s32 $0xC8  }
0xab: {  	[tilespmem:s13], [sflag:$0x2] =	stream.indirect.gather [hbm4b:s4+s10], $0x40, s7, s10, $0xb8;
	[tilespmem:$0x1F400] =	vst v63  }
0xac: {  	s8 =	simm.s32 $0x148;
	s13 =	simm.s32 $0xB600  }
0xad: {  	[tilespmem:s13], [sflag:$0x2] =	stream.indirect.gather [hbm4b:s4+s12], $0x40, s8, s12, $0xb8;
	[tilespmem:$0x1F400] =	vst v63  }
0xae: {  	s18 =	simm.s32 $0x190  }
0xaf: {  	[tilespmem:s14], [sflag:$0x3] =	stream.indirect.gather [hbm4b:s4+s10], $0x40, s18, s10, $0xb8;
	[tilespmem:$0x1F400] =	vst v63  }
0xb0: {  	s23 =	simm.s32 $0x210;
	s25 =	simm.s32 $0xE800  }
0xb1: {  	[tilespmem:s25], [sflag:$0x3] =	stream.indirect.gather [hbm4b:s4+s12], $0x40, s23, s12, $0xb8;
	[tilespmem:$0x1F400] =	vst v63  }
0xb2: {  	s0 =	simm.s32 $0x4;
	s28 =	simm.s32 $0x5;
	s2 =	simm.s32 $0x258  }
0xb3: {  	[tilespmem:s17], [sflag:$0x4] =	stream.indirect.gather [hbm4b:s4+s10], $0x40, s2, s10, $0xb8;
	[tilespmem:$0x1F400] =	vst v63  }
0xb4: {  	s30 =	simm.s32 $0xFA00;
	s7 =	simm.s32 $0x2D8;
	s8 =	simm.s32 $0x11A00  }
0xb5: {  	[tilespmem:s8], [sflag:$0x4] =	stream.indirect.gather [hbm4b:s4+s12], $0x40, s7, s12, $0xb8;
	[tilespmem:$0x1F400] =	vst v63  }
0xb6: {  	s13 =	simm.s32 $0x320;
	s14 =	simm.s32 $0x3A0;
	s18 =	simm.s32 $0x468  }
0xb7: {  	[tilespmem:s19], [sflag:$0x5] =	stream.indirect.gather [hbm4b:s4+s10], $0x40, s13, s10, $0xb8;
	[tilespmem:$0x1F400] =	vst v63  }
0xb8: {  	s23 =	simm.s32 $0x530;
	s25 =	simm.s32 $0x1B000;
	s2 =	simm.s32 $0x14C00  }
0xb9: {  	[tilespmem:s2], [sflag:$0x5] =	stream.indirect.gather [hbm4b:s4+s12], $0x40, s14, s12, $0xb8;
	[tilespmem:$0x1F400] =	vst v63  }
0xba: {  	s17 =	simm.s32 $0x3E8;
	s8 =	simm.s32 $0x1;
	s7 =	simm.s32 $0x3  }
0xbb: {  	[tilespmem:s21], [sflag:$0x6] =	stream.indirect.gather [hbm4b:s4+s10], $0x40, s17, s10, $0xb8;
	[tilespmem:$0x1F400] =	vst v63  }
0xbc: {  	s19 =	simm.s32 $0x17E00;
	s14 =	simm.s32 $0x2;
	s2 =	simm.s32 $0x12C00  }
0xbd: {  	[tilespmem:s19], [sflag:$0x6] =	stream.indirect.gather [hbm4b:s4+s12], $0x40, s18, s12, $0xb8;
	[tilespmem:$0x1F400] =	vst v63  }
.Ltmp5:
0xbe: {  	s21 =	simm.s32 $0x4B0;
	s17 =	simm.s32 $0x6400;
	(pc) =	sbr.rel .LBB2_5-.Ltmp5, $4  }
0xbf: {  	[tilespmem:s9], [sflag:$0x7] =	stream.indirect.gather [hbm4b:s4+s10], $0x40, s21, s10, $0xb8;
	[tilespmem:$0x1F400] =	vst v63  }
0xc0: {  	s19 =	simm.s32 $0x7;
	s18 =	simm.s32 $0x19000;
	s9 =	simm.s32 $0x15E00  }
0xc1: {  	[tilespmem:s25], [sflag:$0x7] =	stream.indirect.gather [hbm4b:s4+s12], $0x40, s23, s12, $0xb8;
	[tilespmem:$0x1F400] =	vst v63  }
0xc2: {  	s21 =	simm.s32 $0x9600;
	s23 =	simm.s32 $0x6;
	s25 =	simm.s32 $0xC800  }
.LBB2_7:
0xc3: {  	_ =	sfence.sel $0x180000  }
0xc4: {  	[bflag:$0x0] =	sbarrier.arrive $0xFFFF  }
0xc5: {  	_ =	strace $0x90000047  }
0xc6: {  	s0 =	stileid.u32;
	[bflag:$0x2] =	sbarrier.arrive $0xFFFF  }
0xc7: {  	p0 =	sne.s32 s0, $0x0;
	s0 =	rddreg [dreg:$0x2]  }
0xc8: {  	s0 =	sadd.s32 @!p0 $0x100000, s0  }
0xc9: {  	[sflag:s0] =	ssyncadd.tile.s32 @!p0 $0x1;
	_ =	shalt  }
.Lfunc_end2:
_tile_overlayer_lowered:
.L_overlay_start_2:
0xca: {  	(tag) =	ssettag $0x2  }
0xcb: {  	s0 =	rddreg [dreg:$0x0];
	s2 =	stileid.u32  }
0xcc: {  	s1 =	rddreg [dreg:$0x1];
	p0 =	sne.s32 s2, $0x0  }
0xcd: {  	s3 =	rddreg [dreg:$0x2];
	[bflag:$0x3] =	sbarrier.arrive $0xFFFF;
	s2 =	simm.s32 @!p0 $0x1C11  }
0xce: {  	[timem:s3], [sflag:s2] =	dma.local @!p0 [hbm:s0], s1  }
0xcf: {  	s0 =	simm.s32 @!p0 $0x11  }
0xd0: {  	_ =	swait.ge @!p0 [sflag:s0], s1  }
0xd1: {  	s1 =	ssub.s32 @!p0 $0x0, s1;
	[sflag:s0] =	ssyncset.done @!p0 $0x0  }
0xd2: {  	[sflag:s0] =	ssyncadd.s32 @!p0 s1  }
0xd3: {  	[bflag:$0x3] =	sbarrier.arrive $0xFFFF  }
0xd4: {  	_ =	shalt  }

// kernel: sparse-core-data-format-call.cloned.1.call-start
scs
called_computation_lowered:
.L_overlay_start_0:
0x0: {  	s2 =	sld [smem:$0x3FD9]  }
0x1: {  	s3 =	sld [smem:$0x3FFE];
	_ =	sdelay $0x1  }
0x2: {  	s1 =	srdreg.scid  }
0x3: {  	s0 =	sand.u32 $0x1, s1  }
0x4: {  	s18 =	sshll.u32 s0, $0xA;
	s2 =	sadd.s32 s3, s2  }
0x5: {  	s2 =	sadd.s32 s2, s18  }
0x6: {  	[smem:$0x3FC6] =	sst s2  }
0x7: {  	_ = 	snop  }
0x8: {  	s2 =	sld [smem:$0x3FD0];
	(tm) =	ssettm $0x1  }
0x9: {  	s19 =	sld [smem:$0x3FFB];
	_ =	sdelay $0x3  }
0xa: {  	_ =	strace s19  }
0xb: {  	s3 =	sld [smem:$0x3FFC];
	_ =	sdelay $0x3  }
0xc: {  	_ =	strace s3  }
0xd: {  	s3 =	sld [smem:$0x3FFD];
	_ =	sdelay $0x3  }
0xe: {  	_ =	strace s3  }
0xf: {  	_ =	strace $0x8FFFFFFF  }
0x10: {  	s20 =	sld [smem:$0x3FDB];
	_ =	sdelay $0x1  }
0x11: {  	s4 =	simm.s32 $_scs_section_size  }
0x12: {  	s5 =	simm.s32 $_size__tile_overlayer_lowered;
	s6 =	simm.s32 $_tile_overlayer_lowered  }
0x13: {  	s23 =	simm.s32 $0x1BFF;
	s22 =	sshll.u32 s6, $0x1;
	s3 =	sadd.s32 s4, s20  }
0x14: {  	s7 =	simm.s32 $0x0;
	s21 =	sshll.u32 s5, $0x1;
	s5 =	sadd.s32 s22, s3  }
0x15: {  	[timem:s7], [sflag:s23] =	dma.local [hbm:s5], s21  }
0x16: {  	_ =	swait.ge [sflag:s23], s21  }
0x17: {  	s4 =	ssub.s32 $0x0, s21;
	[sflag:s23] =	ssyncset.done $0x0  }
0x18: {  	[sflag:s23] =	ssyncadd.s32 s4;
	_ =	sdelay $0x1  }
0x19: {  	s24 =	simm.s32 $0x1B8B  }
0x1a: {  	_ =	swait.ge [sflag:s24], $0x1  }
0x1b: {  	[sflag:s24] =	ssyncset.done $0x0  }
0x1c: {  	s26 =	simm.s32 $0x1B8E;
	s25 =	sld [smem:$0x3FFE];
	[sflag:s24] =	ssyncadd.s32 $0xFFFFFFFF  }
0x1d: {  	s27 =	simm.s32 $execute0_lowered;
	[smem:$0x3FD2] =	sst s26  }
0x1e: {  	s5 =	sshll.u32 s27, $0x1;
	_ =	strace $0x80000049;
	[dreg:$0x1] =	wrdreg $0xFFFFFFFF  }
0x1f: {  	s28 =	simm.s32 $_size_execute0_lowered;
	s3 =	sadd.s32 s3, s5;
	[dreg:$0x0] =	wrdreg $0x0  }
0x20: {  	s5 =	sshll.u32 s28, $0x1;
	[dreg:$0x2] =	wrdreg s3  }
0x21: {  	[dreg:$0x3] =	wrdreg s5  }
0x22: {  	[dreg:$0x4] =	wrdreg $0xC0  }
0x23: {  	_ =	task [dreg:s7], $0x5FFFF  }
0x24: {  	[dreg:$0x1] =	wrdreg $0xFFFFFFFF  }
0x25: {  	[dreg:$0x0] =	wrdreg $0x60  }
0x26: {  	[dreg:$0x2] =	wrdreg s25  }
0x27: {  	[dreg:$0x3] =	wrdreg s2  }
0x28: {  	[dreg:$0x4] =	wrdreg $0x9  }
0x29: {  	_ =	task.clear_ibuf [dreg:s7], $0x5FFFF;
	_ =	strace $0x90000049  }
0x2a: {  	s29 =	simm.s32 $0x9;
	_ =	strace $0x8000004B  }
0x2b: {  	_ =	swait.ge [sflag:s29], $0x1  }
0x2c: {  	[sflag:s29] =	ssyncadd.s32 $0xFFFFFFFF  }
0x2d: {  	_ =	strace $0x9000004B  }
0x2e: {  	_ =	sfence  }
0x2f: {  	s30 =	sld [smem:$0x0];
	_ =	sdelay $0x2  }
0x30: {  	s31 =	sshll.u32 s1, $0xD;
	s1 =	sshrl.u32 s1, $0x2  }
0x31: {  	s3 =	sand.u32 $0x4000, s31;
	s1 =	sadd.s32 s1, s30  }
0x32: {  	s0 =	sor.u32 s3, s0;
	s1 =	sshll.u32 s1, $0x11  }
0x33: {  	s0 =	sor.u32 s1, s0  }
0x34: {  	s0 =	sadd.s32 $0x8F2B, s0  }
0x35: {  	[sflag:s0] =	ssyncadd.remote.s32 $0x1  }
0x36: {  	_ =	sfence.sel $0xFFFF  }
0x37: {  	[dreg:$0x0] =	wrdreg $0xFFFFFFFF;
	(pc) =	sbr.abs _section_cstart, $3  }
0x38: {  	[dreg:$0x1] =	wrdreg $0xFFFFFFFF  }
0x39: {  	_ =	task.clear_ibuf [dreg:s7], $0x2FFFF;
	_ =	strace $0x9FFFFFFF  }
0x3a: {  	(tm) =	ssettm $0x7FFFFFFF  }
0x3b: {  	_ =	shalt  }
tec
execute0_lowered:
.L_overlay_start_1:
0x0: {  	(tag) =	ssettag $0x1  }
0x1: {  	s0 =	srdreg.scid  }
0x2: {  	s1 =	sshll.u32 s0, $0x4  }
0x3: {  	s0 =	stileid.u32;
	s1 =	sand.u32 $0x10, s1  }
0x4: {  	s1 =	sor.u32 s0, s1  }
0x5: {  	s6 =	rddreg [dreg:$0x0];
	s4 =	simm.s32 $0x1;
	s2 =	sshll.u32 s1, $0x7  }
0x6: {  	s7 =	simm.s32 $0x2;
	s12 =	simm.s32 $0x0;
	s1 =	ssub.s32 $0x1000, s2  }
0x7: {  	s8 =	simm.s32 $0x8000;
	s13 =	simm.s32 $0x0;
	s3 =	sand.u32 $0xF80, s1  }
0x8: {  	s9 =	simm.s32 $0x0;
	s5 =	sshrl.u32 s1, $0xC;
	p0 =	sne.s32 s3, $0x0  }
.Ltmp0:
0x9: {  	s1 =	rddreg [dreg:$0x2];
	s4 =	simm.s32 @!p0 $0x0;
	(pc) =	sbr.rel .LBB1_1-.Ltmp0, $4  }
0xa: {  	s11 =	simm.s32 $0x0;
	s3 =	rddreg [dreg:$0x1];
	s5 =	sadd.s32 s4, s5  }
0xb: {  	_ =	strace $0x8000004A;
	s4 =	simm.s32 $0x1;
	s5 =	smul.u32 $0xC8, s5  }
0xc: {  	s6 =	sadd.s32 $0xA00, s6;
	s10 =	smov.u32 s2;
	[sflag:s4] =	ssyncpa.u1 $0x0  }
0xd: {  	p0 =	por $0x0, $0x0;
	[sflag:s7] =	ssyncpa.u1 $0x0;
	s7 =	sor.u32 $0x1, s5  }
.LBB1_4:
0xe: {  	s16 =	sshll.u32 s13, $0x3;
	s17 =	sand.u32 $0x78, s13  }
0xf: {  	s30 =	sand.u32 $0x7E00, s13;
	s12 =	sshll.u32 s12, $0xF;
	s16 =	sand.u32 $0xC00, s16  }
0x10: {  	[tilespmem:s15+$0x810 ss:$0x81] =	vst.msk $0xffff, v2;
	s31 =	sand.u32 $0x7, s13;
	s16 =	sor.u32 s17, s16;
	s17 =	sadd.s32 s3, s30  }
0x11: {  	[tilespmem:s15+$0x1020 ss:$0x81] =	vst.msk $0xffff, v0;
	s13 =	sshll.u32 s31, $0x12;
	s12 =	sadd.s32 s12, s17;
	s16 =	sshrl.u32 s16, $0x3  }
0x12: {  	[tilespmem:s15+$0x0 ss:$0x81] =	vst.msk $0xffff, v1;
	s13 =	sor.u32 $0x400, s13;
	s12 =	sadd.s32 s16, s12  }
0x13: {  	[hbm4b:s12+s13] =	stream.strided.scatter [tilespmem:s14], [sflag:$0x2], $0x2000, s8, s13, $0x20;
	[tilespmem:$0x8080] =	vst v63  }
.LBB1_5:
0x14: {  	s14 =	sadd.s32 $0x1, s9  }
0x15: {  	s12 =	sadd.s32 $0x1000, s10;
	s16 =	smov.u32 s10;
	p2 =	sgt.s32 s14, $0xC7  }
0x16: {  	s16 =	smov.u32 @p2 s12  }
0x17: {  	s14 =	simm.s32 @p2 $0x0;
	p2 =	sgt.s32 s16, $0xFFF  }
0x18: {  	s16 =	smov.u32 @p2 s2;
	p2 =	sne.s32 s11, s7  }
.Ltmp1:
0x19: {  	p1 =	slt.u32 s11, $0x2;
	(pc) =	sbr.rel @!p2 .LBB1_6-.Ltmp1, $4  }
0x1a: {  	s15 =	simm.s32 @!p1 $0x2  }
0x1b: {  	s13 =	smov.u32 s10;
	p0 =	por !p0, !p0;
	_ =	swait.ge @!p1 [sflag:s15], $0x2000  }
0x1c: {  	s12 =	smov.u32 s9;
	[sflag:s15] =	ssyncset.done @!p1 $0x0;
	s9 =	smov.u32 s14  }
0x1d: {  	s11 =	sadd.s32 $0x1, s11;
	[sflag:s15] =	ssyncadd.s32 @!p1 $0xFFFFE000;
	s10 =	smov.u32 s16  }
.LBB1_1:
0x1e: {  	p1 =	sge.u32 s11, s5  }
0x1f: {  	s14 =	sand.u32 @!p1 $0x1FFFFFF, s9  }
0x20: {  	s15 =	smulhi.u32 @!p1 $0x147AE15, s14;
	_ =	sdelay $0x1  }
0x21: {  	s15 =	smul.u32 @!p1 $0xC8, s15  }
0x22: {  	s16 =	sxor.u32 @!p1 $0xFFFFFFFF, s11;
	s17 =	smul.u32 @!p1 $0xC80, s10  }
0x23: {  	s31 =	sadd.s32 $0xFFFFFFFF, s11;
	s16 =	sshll.u32 @!p1 s16, $0xD;
	s14 =	ssub.s32 @!p1 s14, s15  }
0x24: {  	s15 =	sand.u32 @!p1 $0x2000, s16;
	s16 =	sadd.s32 @!p1 s6, s17;
	s14 =	sshll.u32 @!p1 s14, $0x4  }
0x25: {  	s17 =	simm.s32 @!p1 $0x6400;
	s14 =	sadd.s32 @!p1 s14, s16;
	s16 =	simm.s32 @!p1 $0x40  }
0x26: {  	[tilespmem:s15], [sflag:$0x1] =	stream.strided.gather @!p1 [hbm4b:s14+s16], $0x2000, s17, s16, $0x38;
	[tilespmem:$0x8080] =	vst v63  }
0x27: {  	p1 =	sge.u32 s31, s5  }
.Ltmp2:
0x28: {  	_ = 	snop;
	(pc) =	sbr.rel @p1 .LBB1_5-.Ltmp2, $1  }
0x29: {  	_ =	sdelay $0x3  }
0x2a: {  	s14 =	simm.s32 $0x1  }
0x2b: {  	_ =	swait.ge [sflag:s4], $0x2000;
	s14 =	simm.s32 @!p0 $0x0  }
0x2c: {  	[sflag:s4] =	ssyncset.done $0x0;
	s15 =	sshll.u32 s14, $0xD  }
0x2d: {  	[sflag:s4] =	ssyncadd.s32 $0xFFFFE000;
	s18 =	sor.u32 $0x20, s15  }
0x2e: {  	s14 =	smul.u32 $0x8100, s14;
	v3 =	vld [tilespmem:s18+$0x10]  }
0x2f: {  	s30 =	sand.u32 $0x1, s11;
	v2 =	vld [tilespmem:s18+$0xFFFFFFF0]  }
0x30: {  	s15 =	smul.u32 $0x8100, s30;
	s14 =	sshrl.u32 s14, $0x2;
	v0 =	vld [tilespmem:s18+$0x0]  }
0x31: {  	v1 =	vld [tilespmem:s18+$0xFFFFFFE0];
	s16 =	sor.u32 $0x4000, s14  }
0x32: {  	s31 =	sshrl.u32 s15, $0x2;
	s15 =	sadd.s32 $0x0, s16  }
0x33: {  	s17 =	simm.s32 $0x4;
	s18 =	sadd.s32 $0x40, s18;
	s14 =	sor.u32 $0x4000, s31;
	[tilespmem:s15+$0x1830 ss:$0x81] =	vst.msk $0xffff, v3  }
.LBB1_3:
0x34: {  	v3 =	vld [tilespmem:s18+$0x10];
	p1 =	sne.s32 s17, $0x1FC;
	[tilespmem:s15+$0x810 ss:$0x81] =	vst.msk $0xffff, v2;
	s19 =	smov.u32 s17;
	s17 =	sadd.s32 $0x4, s17  }
.Ltmp3:
0x35: {  	v2 =	vld [tilespmem:s18+$0xFFFFFFF0];
	[tilespmem:s15+$0x1020 ss:$0x81] =	vst.msk $0xffff, v0;
	(pc) =	sbr.rel @p1 .LBB1_3-.Ltmp3, $4  }
0x36: {  	v0 =	vld [tilespmem:s18+$0x0];
	[tilespmem:s15+$0x0 ss:$0x81] =	vst.msk $0xffff, v1  }
0x37: {  	s15 =	sshra.s32 s19, $0x2;
	v1 =	vld [tilespmem:s18+$0xFFFFFFE0]  }
0x38: {  	s15 =	sadd.s32 s15, s16  }
0x39: {  	s18 =	sadd.s32 $0x40, s18;
	[tilespmem:s15+$0x1830 ss:$0x81] =	vst.msk $0xffff, v3  }
.Ltmp4:
0x3a: {  	_ = 	snop;
	(pc) =	sbr.rel .LBB1_4-.Ltmp4, $1  }
0x3b: {  	_ =	sdelay $0x3  }
.LBB1_6:
0x3c: {  	_ =	sfence.sel $0x180000  }
0x3d: {  	s2 =	simm.s32 $0x1;
	[bflag:$0x0] =	sbarrier.arrive $0xFFFF  }
0x3e: {  	s31 =	simm.s32 $0x2;
	[sflag:s2] =	ssyncpa.u1 $0x1  }
0x3f: {  	[sflag:s31] =	ssyncpa.u1 $0x1  }
0x40: {  	p0 =	sne.s32 s0, $0x0;
	_ =	strace $0x9000004A  }
0x41: {  	s0 =	sadd.s32 @!p0 $0x100000, s1;
	[bflag:$0x2] =	sbarrier.arrive $0xFFFF  }
0x42: {  	[sflag:s0] =	ssyncadd.tile.s32 @!p0 $0x1;
	_ =	shalt  }
.Lfunc_end1:
_tile_overlayer_lowered:
.L_overlay_start_2:
0x43: {  	(tag) =	ssettag $0x2  }
0x44: {  	s0 =	rddreg [dreg:$0x0];
	s2 =	stileid.u32  }
0x45: {  	s1 =	rddreg [dreg:$0x1];
	p0 =	sne.s32 s2, $0x0  }
0x46: {  	s3 =	rddreg [dreg:$0x2];
	[bflag:$0x3] =	sbarrier.arrive $0xFFFF;
	s2 =	simm.s32 @!p0 $0x1C01  }
0x47: {  	[timem:s3], [sflag:s2] =	dma.local @!p0 [hbm:s0], s1  }
0x48: {  	s0 =	simm.s32 @!p0 $0x1  }
0x49: {  	_ =	swait.ge @!p0 [sflag:s0], s1  }
0x4a: {  	s1 =	ssub.s32 @!p0 $0x0, s1;
	[sflag:s0] =	ssyncset.done @!p0 $0x0  }
0x4b: {  	[sflag:s0] =	ssyncadd.s32 @!p0 s1  }
0x4c: {  	[bflag:$0x3] =	sbarrier.arrive $0xFFFF  }
0x4d: {  	_ =	shalt  }

</sc_bundles>
